<compile_context>
chip_gen: v7x
topology: tpu7x:2x2x1
jax: 0.10.2.dev20260603
libtpu: 0.0.44.dev20260713+nightly
codegen_flags: <defaults>
</compile_context>

<pallas_src>
import functools

import jax
import jax.numpy as jnp
from jax import lax
from jax.experimental import pallas as pl
from jax.experimental.pallas import tpu as pltpu
from jax.experimental.pallas import tpu_sc as plsc

N = 10000
E = 320000
D = 128
HW = 64
CD = 16
NC, NS = 2, 16
NW = NC * NS
C = 128
NSLOT = 4

EPW = E // NW
NCH_R = 80
EPT = E // NS
NCH_W = 162
NSLOT_W = 3
YR = N // NS

NPAD = 10008
RPS = 624
_TAIL_ROWS = (NS * RPS, N - NS * RPS)


def _blocks(total, step):
    out, off = [], 0
    while off < total:
        out.append((off, min(step, total - off)))
        off += step
    return out
DEGW = 16


def _zero_vmem(buf, nrows, width):
    @pl.loop(0, nrows)
    def _(i):
        for j in range(width // 16):
            buf[i, pl.ds(j * 16, 16)] = jnp.zeros((16,), jnp.float32)


def _zero_acc_slice(sid, zsrc, acc, step=128):
    r0 = sid * RPS
    for off, m in _blocks(RPS, step):
        pltpu.sync_copy(zsrc.at[pl.ds(0, m)], acc.at[pl.ds(r0 + off, m)])

    @pl.when(sid == NS - 1)
    def _():
        t0, tm = _TAIL_ROWS
        pltpu.sync_copy(zsrc.at[pl.ds(0, tm)], acc.at[pl.ds(t0, tm)])


def _writeback(sid, cid, acc, bounce, out_hbm, step=128):
    r0 = sid * RPS
    for off, m in _blocks(RPS, step):
        rr = r0 + off
        pltpu.sync_copy(acc.at[pl.ds(rr, m)], bounce.at[pl.ds(0, m)])
        pltpu.sync_copy(bounce.at[pl.ds(0, m)], out_hbm.at[cid, pl.ds(rr, m)])

    @pl.when(sid == NS - 1)
    def _():
        t0, tm = _TAIL_ROWS
        pltpu.sync_copy(acc.at[pl.ds(t0, tm)], bounce.at[pl.ds(0, tm)])
        pltpu.sync_copy(bounce.at[pl.ds(0, tm)], out_hbm.at[cid, pl.ds(t0, tm)])


def _deg_body(dst3_hbm, deg_hbm, acc, dstall, ones, bounce, s0, s1, s2, s3):
    cid = lax.axis_index("c")
    sid = lax.axis_index("s")
    wid = cid * NS + sid
    sems = [s0, s1, s2, s3]

    @pl.loop(0, C)
    def _(i):
        ones[i, pl.ds(0, 16)] = jnp.ones((16,), jnp.float32)
    _zero_vmem(bounce, C, DEGW)
    _zero_acc_slice(sid, bounce, acc)
    pltpu.sync_copy(dst3_hbm.at[wid], dstall)
    plsc.subcore_barrier()

    for b in range(NSLOT):
        pltpu.async_copy(ones, acc.at[dstall.at[b]], sems[b], add=True)

    @pl.loop(0, NCH_R // NSLOT)
    def _(g):
        for b in range(NSLOT):
            i = g * NSLOT + b
            pltpu.make_async_copy(ones, acc.at[dstall.at[i]], sems[b]).wait()

            @pl.when(g < NCH_R // NSLOT - 1)
            def _():
                pltpu.async_copy(ones, acc.at[dstall.at[i + NSLOT]], sems[b],
                                 add=True)

    plsc.subcore_barrier()
    _writeback(sid, cid, acc, bounce, deg_hbm)


def _make_prop_body(width, c_, nch, nslot, staged=False):
    def body(y_hbm, src3_hbm, dst3_hbm, p_hbm, acc, *rest):
        if staged:
            ystage, srcall, dstall, *bufs = rest
        else:
            srcall, dstall, *bufs = rest
        cid = lax.axis_index("c")
        sid = lax.axis_index("s")
        wid = cid * NS + sid
        rows = list(bufs[:nslot])
        gsem = list(bufs[nslot:2 * nslot])
        ssem = list(bufs[2 * nslot:3 * nslot])

        _zero_vmem(rows[0], c_, width)
        _zero_acc_slice(sid, rows[0], acc, c_)
        pltpu.sync_copy(src3_hbm.at[wid], srcall)
        pltpu.sync_copy(dst3_hbm.at[wid], dstall)
        if staged:
            pltpu.sync_copy(y_hbm.at[pl.ds(sid * YR, YR)],
                            ystage.at[pl.ds(sid * YR, YR)])
            ysrc = ystage
        else:
            ysrc = y_hbm
        plsc.subcore_barrier()

        def wait_scatter(b):
            pltpu.make_async_copy(rows[b], acc.at[dstall.at[0]],
                                  ssem[b]).wait()

        def fire_gather(i, b):
            pltpu.async_copy(ysrc.at[srcall.at[i]], rows[b], gsem[b])

        for b in range(nslot - 1):
            fire_gather(b, b)

        ngrp = nch // nslot

        @pl.loop(0, ngrp)
        def _(g):
            for b in range(nslot):
                i = g * nslot + b
                pltpu.make_async_copy(ysrc.at[srcall.at[i]], rows[b],
                                      gsem[b]).wait()
                pltpu.async_copy(rows[b], acc.at[dstall.at[i]], ssem[b],
                                 add=True)
                bp = (b - 1) % nslot
                if b == 0:
                    @pl.when(g > 0)
                    def _():
                        wait_scatter(bp)
                else:
                    wait_scatter(bp)
                if b == 0:
                    fire_gather(i + nslot - 1, bp)
                else:
                    @pl.when(g < ngrp - 1)
                    def _():
                        fire_gather(i + nslot - 1, bp)

        wait_scatter((nch - 1) % nslot)
        plsc.subcore_barrier()
        _writeback(sid, cid, acc, rows[0], p_hbm, c_)
    return body


def _colprop_body(y_hbm, srcP_hbm, dstP_hbm, p_hbm, acc, ystage, srcall,
                  d0, d1, d2, r0_, r1_, r2_,
                  g0, g1, g2, s0, s1, s2, i0, i1, i2):
    cid = lax.axis_index("c")
    sid = lax.axis_index("s")
    rows = [r0_, r1_, r2_]
    dstb = [d0, d1, d2]
    gsem = [g0, g1, g2]
    ssem = [s0, s1, s2]
    isem = [i0, i1, i2]
    n = NSLOT_W

    _zero_vmem(r0_, C, HW)
    _zero_acc_slice(sid, r0_, acc)
    pltpu.sync_copy(srcP_hbm.at[sid], srcall)
    pltpu.sync_copy(y_hbm.at[cid, pl.ds(sid * YR, YR)],
                    ystage.at[pl.ds(sid * YR, YR)])
    plsc.subcore_barrier()

    def fire(i, b):
        pltpu.async_copy(ystage.at[srcall.at[i]], rows[b], gsem[b])
        pltpu.async_copy(dstP_hbm.at[sid * NCH_W + i], dstb[b], isem[b])

    def wait_scatter(b):
        pltpu.make_async_copy(rows[b], acc.at[dstb[b]], ssem[b]).wait()

    for b in range(n - 1):
        fire(b, b)

    ngrp = NCH_W // n

    @pl.loop(0, ngrp)
    def _(g):
        for b in range(n):
            i = g * n + b
            pltpu.make_async_copy(ystage.at[srcall.at[i]], rows[b],
                                  gsem[b]).wait()
            pltpu.make_async_copy(dstP_hbm.at[0], dstb[b], isem[b]).wait()
            pltpu.async_copy(rows[b], acc.at[dstb[b]], ssem[b], add=True)
            bp = (b - 1) % n
            if b == 0:
                @pl.when(g > 0)
                def _():
                    wait_scatter(bp)

                fire(i + n - 1, bp)
            else:
                wait_scatter(bp)

                @pl.when(g < ngrp - 1)
                def _():
                    fire(i + n - 1, bp)

    wait_scatter((NCH_W - 1) % n)
    plsc.subcore_barrier()
    _writeback(sid, cid, acc, r0_, p_hbm)


@functools.cache
def _sc_mesh():
    return plsc.VectorSubcoreMesh(core_axis_name="c", subcore_axis_name="s",
                                  num_cores=NC, num_subcores=NS)


def _sc_params():
    return pltpu.CompilerParams(use_tc_tiling_on_sc=False)


def _sems(n):
    return [pltpu.SemaphoreType.DMA] * n


@jax.jit
def _sc_degree(dst3):
    return pl.kernel(
        _deg_body,
        out_type=jax.ShapeDtypeStruct((NC, N, DEGW), jnp.float32),
        mesh=_sc_mesh(),
        compiler_params=_sc_params(),
        scratch_types=[
            pltpu.VMEM_SHARED((NPAD, DEGW), jnp.float32),
            pltpu.VMEM((NCH_R, C), jnp.int32),
            pltpu.VMEM((C, DEGW), jnp.float32),
            pltpu.VMEM((C, DEGW), jnp.float32),
        ] + _sems(NSLOT),
    )(dst3)


@jax.jit
def _sc_cprop(yc, src3, dst3):
    return pl.kernel(
        _make_prop_body(CD, C, NCH_R, NSLOT, staged=True),
        out_type=jax.ShapeDtypeStruct((NC, N, CD), jnp.float32),
        mesh=_sc_mesh(),
        compiler_params=_sc_params(),
        scratch_types=[
            pltpu.VMEM_SHARED((NPAD, CD), jnp.float32),
            pltpu.VMEM_SHARED((N, CD), jnp.float32),
            pltpu.VMEM((NCH_R, C), jnp.int32),
            pltpu.VMEM((NCH_R, C), jnp.int32),
        ] + [pltpu.VMEM((C, CD), jnp.float32)] * NSLOT
          + _sems(2 * NSLOT),
    )(yc, src3, dst3)


@jax.jit
def _sc_prop(y_split, srcP, dstP):
    return pl.kernel(
        _colprop_body,
        out_type=jax.ShapeDtypeStruct((NC, N, HW), jnp.float32),
        mesh=_sc_mesh(),
        compiler_params=_sc_params(),
        scratch_types=[
            pltpu.VMEM_SHARED((NPAD, HW), jnp.float32),
            pltpu.VMEM_SHARED((N, HW), jnp.float32),
            pltpu.VMEM((NCH_W, C), jnp.int32),
        ] + [pltpu.VMEM((C,), jnp.int32)] * NSLOT_W
          + [pltpu.VMEM((C, HW), jnp.float32)] * NSLOT_W
          + _sems(3 * NSLOT_W),
    )(y_split, srcP, dstP.reshape(NS * NCH_W, C))



_RB = 2000
_GRID = (N // _RB,)


def _tc_call(body, out_shapes, in_specs, out_specs):
    return pl.pallas_call(
        body,
        grid=_GRID,
        in_specs=in_specs,
        out_specs=out_specs,
        out_shape=out_shapes,
    )


def _rows(w):
    return pl.BlockSpec((_RB, w), lambda i: (i, 0))


def _split(w):
    return pl.BlockSpec((NC, _RB, w), lambda i: (0, i, 0))


def _full(a, b):
    return pl.BlockSpec((a, b), lambda i: (0, 0))


def _cat(p):
    return jnp.concatenate([p[0], p[1]], axis=1)


def _store_split(ref, x):
    ref[0] = x[:, :HW]
    ref[1] = x[:, HW:]


def _k1_body(degp, f, c, wf, dis_o, yf_o, yc_o):
    deg = degp[0, :, 0:1] + degp[1, :, 0:1] + 1.0
    dis = lax.rsqrt(deg)
    dis_o[...] = dis
    _store_split(yf_o, dis * jnp.dot(f[...], wf[...],
                                     preferred_element_type=jnp.float32))
    yc_o[...] = dis * c[...]


def _k2_body(pf, yf, bf, pc, yc, bc, dis, wc, wh1, wh2, yh_o):
    d = dis[...]
    f2h = jnp.tanh(d * _cat([pf[0] + yf[0], pf[1] + yf[1]]) + bf[...])
    ac = d * (pc[0] + pc[1] + yc[...])
    c2h = jnp.tanh(jnp.dot(ac, wc[...], preferred_element_type=jnp.float32)
                   + bc[...])
    _store_split(yh_o, d * (jnp.dot(f2h, wh1[...],
                                    preferred_element_type=jnp.float32)
                            + jnp.dot(c2h, wh2[...],
                                      preferred_element_type=jnp.float32)))


def _k3_body(ph, yh, bh, dis, y2_o):
    d = dis[...]
    h2 = jnp.tanh(d * _cat([ph[0] + yh[0], ph[1] + yh[1]]) + bh[...])
    _store_split(y2_o, d * h2)


def _k4_body(p2, y2, dis, wm, bm, wv, bv, noise, z_o, mean_o, logvar_o):
    ah = dis[...] * _cat([p2[0] + y2[0], p2[1] + y2[1]])
    mean = jnp.dot(ah, wm[...], preferred_element_type=jnp.float32) + bm[...]
    logvar = jnp.dot(ah, wv[...], preferred_element_type=jnp.float32) + bv[...]
    mean_o[...] = mean
    logvar_o[...] = logvar
    z_o[...] = noise[...] * jnp.exp(0.5 * logvar) + mean


def _pad_pages(x, nper, nch, fill, c_):
    ng = E // nper
    pad = jnp.full((ng, nch * c_ - nper), fill, jnp.int32)
    return jnp.concatenate([x.reshape(ng, nper), pad], axis=1).reshape(
        ng, nch, c_)


def kernel(feature, condition, edge_index, W_f, b_f, W_c, b_c, W_h, b_h,
           W_m, b_m, W_v, b_v):
    src = edge_index[0].astype(jnp.int32)
    dst = edge_index[1].astype(jnp.int32)
    ldim = W_m.shape[1]

    src3 = _pad_pages(src, EPW, NCH_R, 0, C)
    dst3 = _pad_pages(dst, EPW, NCH_R, N, C)
    srcP = _pad_pages(src, EPT, NCH_W, 0, C)
    dstP = _pad_pages(dst, EPT, NCH_W, N, C)

    degp = _sc_degree(dst3)

    k1 = _tc_call(
        _k1_body,
        (jax.ShapeDtypeStruct((N, 1), jnp.float32),
         jax.ShapeDtypeStruct((NC, N, HW), jnp.float32),
         jax.ShapeDtypeStruct((N, CD), jnp.float32)),
        [_split(DEGW), _rows(D), _rows(CD), _full(D, D)],
        (_rows(1), _split(HW), _rows(CD)),
    )
    dis, yf, yc = k1(degp, feature, condition, W_f)

    pc = _sc_cprop(yc, src3, dst3)
    pf = _sc_prop(yf, srcP, dstP)

    b2 = lambda b: b.reshape(1, -1)
    k2 = _tc_call(
        _k2_body,
        jax.ShapeDtypeStruct((NC, N, HW), jnp.float32),
        [_split(HW), _split(HW), _full(1, D), _split(CD), _rows(CD),
         _full(1, D), _rows(1), _full(CD, D), _full(D, D), _full(D, D)],
        _split(HW),
    )
    yh = k2(pf, yf, b2(b_f), pc, yc, b2(b_c), dis, W_c, W_h[:D], W_h[D:])

    ph = _sc_prop(yh, srcP, dstP)

    k3 = _tc_call(
        _k3_body,
        jax.ShapeDtypeStruct((NC, N, HW), jnp.float32),
        [_split(HW), _split(HW), _full(1, D), _rows(1)],
        _split(HW),
    )
    y2 = k3(ph, yh, b2(b_h), dis)

    p2 = _sc_prop(y2, srcP, dstP)

    noise = jax.random.normal(jax.random.key(42), (N, ldim), jnp.float32)
    k4 = _tc_call(
        _k4_body,
        (jax.ShapeDtypeStruct((N, ldim), jnp.float32),
         jax.ShapeDtypeStruct((N, ldim), jnp.float32),
         jax.ShapeDtypeStruct((N, ldim), jnp.float32)),
        [_split(HW), _split(HW), _rows(1), _full(D, ldim), _full(1, ldim),
         _full(D, ldim), _full(1, ldim), _rows(ldim)],
        (_rows(ldim), _rows(ldim), _rows(ldim)),
    )
    z, mean, logvar = k4(p2, y2, dis, W_m, b2(b_m), W_v, b2(b_v), noise)
    return (z, mean, logvar)

# --- scband reference (transcript-rebuilt; emitter-appended) ---
"""Pipeline reference for scband-separate-hidden-gcvaeencoder-16286515987223 (READ-ONLY COPY).

The authoritative reference and input builder live on the scoring server;
editing this copy changes nothing except your own understanding.
"""

import jax, jax.numpy as jnp
import numpy as np

N_NODES = 10000


def gcn_conv(x, edge_index, W, b):
    # PyG GCNConv with add_self_loops=True, symmetric normalization
    n = x.shape[0]
    loop = jnp.arange(n, dtype=edge_index.dtype)
    src = jnp.concatenate([edge_index[0], loop])
    dst = jnp.concatenate([edge_index[1], loop])
    xw = x @ W
    ones = jnp.ones(src.shape[0], dtype=x.dtype)
    deg = jax.ops.segment_sum(ones, dst, num_segments=n)
    deg_inv_sqrt = jnp.where(deg > 0, deg ** -0.5, 0.0)
    norm = deg_inv_sqrt[src] * deg_inv_sqrt[dst]
    msgs = xw[src] * norm[:, None]
    out = jax.ops.segment_sum(msgs, dst, num_segments=n)
    return out + b


def setup_inputs(seed: int = 0) -> dict:
    key = jax.random.key(seed)
    ks = jax.random.split(key, 16)
    feature_dim, condition_dim, hidden_dim, latent_dim = 128, 16, 128, 64
    feature = jax.random.normal(ks[0], (N_NODES, feature_dim), dtype=jnp.float32)
    condition = jax.random.normal(ks[1], (N_NODES, condition_dim), dtype=jnp.float32)
    edge_index = jax.random.randint(ks[2], (2, 320000), 0, N_NODES, dtype=jnp.int64)
    def glorot(k, fan_in, fan_out):
        s = (6.0 / (fan_in + fan_out)) ** 0.5
        return jax.random.uniform(k, (fan_in, fan_out), dtype=jnp.float32, minval=-s, maxval=s)
    return {
        'feature': feature,
        'condition': condition,
        'edge_index': edge_index,
        'W_f': glorot(ks[3], feature_dim, hidden_dim), 'b_f': jnp.zeros((hidden_dim,), jnp.float32),
        'W_c': glorot(ks[4], condition_dim, hidden_dim), 'b_c': jnp.zeros((hidden_dim,), jnp.float32),
        'W_h': glorot(ks[5], 2 * hidden_dim, hidden_dim), 'b_h': jnp.zeros((hidden_dim,), jnp.float32),
        'W_m': glorot(ks[6], hidden_dim, latent_dim), 'b_m': jnp.zeros((latent_dim,), jnp.float32),
        'W_v': glorot(ks[7], hidden_dim, latent_dim), 'b_v': jnp.zeros((latent_dim,), jnp.float32),
    }


def reference(feature, condition, edge_index, W_f, b_f, W_c, b_c, W_h, b_h, W_m, b_m, W_v, b_v):
    f2h = jnp.tanh(gcn_conv(feature, edge_index, W_f, b_f))
    c2h = jnp.tanh(gcn_conv(condition, edge_index, W_c, b_c))
    h = jnp.concatenate([f2h, c2h], axis=1)
    h = jnp.tanh(gcn_conv(h, edge_index, W_h, b_h))
    mean = gcn_conv(h, edge_index, W_m, b_m)
    logvar = gcn_conv(h, edge_index, W_v, b_v)
    noise = jax.random.normal(jax.random.key(42), (feature.shape[0], logvar.shape[1]), dtype=feature.dtype)
    z = noise * jnp.exp(0.5 * logvar) + mean
    return (z, mean, logvar)

if __name__ == "__main__":
    import jax
    _d = setup_inputs()
    print(jax.jit(kernel)(*tuple(_d.values())))

</pallas_src>

<mosaic_0001>
#map = affine_map<(d0, d1) -> (0, 0, 0)>
module attributes {stable_mosaic.version = 14 : i64} {
  func.func @_deg_body(%arg0: i32, %arg1: i32, %arg2: memref<32x80x128xi32, #tpu.memory_space<hbm>>, %arg3: memref<2x10000x16xf32, #tpu.memory_space<hbm>>, %arg4: memref<10008x16xf32, #tpu.memory_space<vmem_shared>>, %arg5: memref<80x128xi32, #tpu.memory_space<vmem>>, %arg6: memref<128x16xf32, #tpu.memory_space<vmem>>, %arg7: memref<128x16xf32, #tpu.memory_space<vmem>>, %arg8: memref<!tpu.dma_semaphore, #tpu.memory_space<semaphore_mem>>, %arg9: memref<!tpu.dma_semaphore, #tpu.memory_space<semaphore_mem>>, %arg10: memref<!tpu.dma_semaphore, #tpu.memory_space<semaphore_mem>>, %arg11: memref<!tpu.dma_semaphore, #tpu.memory_space<semaphore_mem>>) attributes {dimension_semantics = [#tpu.dimension_semantics<core_parallel>, #tpu.dimension_semantics<subcore_parallel>], iteration_bounds = array<i64: 2, 16>, scalar_prefetch = 0 : i64, scratch_operands = 8 : i64, tpu.core_type = #tpu.core_type<sc_vector_subcore>, window_params = [{transform_indices = #map}, {transform_indices = #map}]} {
    %mul3A = arith.constant 16 : i32
    %mul3A_0 = arith.muli %arg0, %mul3A : i32
    %add3A = arith.addi %mul3A_0, %arg1 : i32
    %scan3A = arith.constant 0 : i32
    %scan3A_1 = arith.constant 128 : i32
    %scan3A_2 = arith.addi %scan3A, %scan3A_1 : i32
    %scan3A_3 = arith.constant 1 : i32
    scf.for %scan3A_74 = %scan3A to %scan3A_2 step %scan3A_3  : i32 {
      %mul3A_75 = arith.constant 1 : i32
      %mul3A_76 = arith.muli %scan3A_74, %mul3A_75 : i32
      %add3A_77 = arith.constant 0 : i32
      %add3A_78 = arith.addi %add3A_77, %mul3A_76 : i32
      %broadcast_in_dim3A = arith.constant 1.000000e+00 : f32
      %broadcast_in_dim3A_79 = vector.broadcast %broadcast_in_dim3A : f32 to vector<16xf32>
      %swap3A = arith.index_cast %add3A_78 : i32 to index
      %swap3A_80 = arith.constant 0 : index
      %swap3A_81 = tpu.vector_load %arg6[%swap3A, %swap3A_80] {strides = array<i32>} : memref<128x16xf32, #tpu.memory_space<vmem>>, vector<1x16xf32>,
      %swap3A_82 = vector.shape_cast %swap3A_81 : vector<1x16xf32> to vector<16xf32>
      %swap3A_83 = vector.shape_cast %broadcast_in_dim3A_79 : vector<16xf32> to vector<1x16xf32>
      tpu.vector_store %arg6[%swap3A, %swap3A_80], %swap3A_83 {strides = array<i32>} : memref<128x16xf32, #tpu.memory_space<vmem>>, vector<1x16xf32>,
    }
    %scan3A_4 = arith.constant 128 : i32
    %scan3A_5 = arith.constant 0 : i32
    %scan3A_6 = arith.constant 128 : i32
    %scan3A_7 = arith.addi %scan3A_5, %scan3A_6 : i32
    %scan3A_8 = arith.constant 1 : i32
    scf.for %scan3A_74 = %scan3A_5 to %scan3A_7 step %scan3A_8  : i32 {
      %mul3A_75 = arith.constant 1 : i32
      %mul3A_76 = arith.muli %scan3A_74, %mul3A_75 : i32
      %add3A_77 = arith.constant 0 : i32
      %add3A_78 = arith.addi %add3A_77, %mul3A_76 : i32
      %broadcast_in_dim3A = arith.constant 0.000000e+00 : f32
      %broadcast_in_dim3A_79 = vector.broadcast %broadcast_in_dim3A : f32 to vector<16xf32>
      %swap3A = arith.index_cast %add3A_78 : i32 to index
      %swap3A_80 = arith.constant 0 : index
      %swap3A_81 = tpu.vector_load %arg7[%swap3A, %swap3A_80] {strides = array<i32>} : memref<128x16xf32, #tpu.memory_space<vmem>>, vector<1x16xf32>,
      %swap3A_82 = vector.shape_cast %swap3A_81 : vector<1x16xf32> to vector<16xf32>
      %swap3A_83 = vector.shape_cast %broadcast_in_dim3A_79 : vector<16xf32> to vector<1x16xf32>
      tpu.vector_store %arg7[%swap3A, %swap3A_80], %swap3A_83 {strides = array<i32>} : memref<128x16xf32, #tpu.memory_space<vmem>>, vector<1x16xf32>,
    }
    %scan3A_9 = arith.constant 128 : i32
    %mul3A_10 = arith.constant 624 : i32
    %mul3A_11 = arith.muli %arg1, %mul3A_10 : i32
    %add3A_12 = arith.constant 0 : i32
    %add3A_13 = arith.addi %mul3A_11, %add3A_12 : i32
    "tpu.region"() ({
      %run_scoped3A = tpu.sem_alloc : memref<!tpu.dma_semaphore, #tpu.memory_space<semaphore_mem>>
      %dma_start3A_74 = arith.constant 0 : i32
      %dma_start3A_75 = arith.constant 0 : i32
      %dma_start3A_76 = tpu.memref_slice %arg7[%dma_start3A_74, %dma_start3A_75] : memref<128x16xf32, #tpu.memory_space<vmem>> -> memref<128x16xf32, #tpu.memory_space<vmem>>
      %dma_start3A_77 = arith.constant 0 : i32
      %dma_start3A_78 = tpu.memref_slice %arg4[%add3A_13, %dma_start3A_77] : memref<10008x16xf32, #tpu.memory_space<vmem_shared>> -> memref<128x16xf32, #tpu.memory_space<vmem_shared>>
      %dma_start3A_79 = arith.constant 0 : i32
      %dma_start3A_80 = tpu.memref_slice %arg4[%add3A_13, %dma_start3A_79] : memref<10008x16xf32, #tpu.memory_space<vmem_shared>> -> memref<128x16xf32, #tpu.memory_space<vmem_shared>>
      %dma_start3A_81 = arith.constant 0 : i32
      %dma_start3A_82 = arith.constant 0 : i32
      %dma_start3A_83 = tpu.memref_slice %arg7[%dma_start3A_81, %dma_start3A_82] : memref<128x16xf32, #tpu.memory_space<vmem>> -> memref<128x16xf32, #tpu.memory_space<vmem>>
      tpu.enqueue_dma source(%dma_start3A_83 : memref<128x16xf32, #tpu.memory_space<vmem>>) target(%dma_start3A_80 : memref<128x16xf32, #tpu.memory_space<vmem_shared>>) target_semaphore(%run_scoped3A : memref<!tpu.dma_semaphore, #tpu.memory_space<semaphore_mem>>)
      %dma_wait3A = arith.constant 0 : i32
      %dma_wait3A_84 = arith.constant 0 : i32
      %dma_wait3A_85 = tpu.memref_slice %arg7[%dma_wait3A, %dma_wait3A_84] : memref<128x16xf32, #tpu.memory_space<vmem>> -> memref<128x16xf32, #tpu.memory_space<vmem>>
      %dma_wait3A_86 = arith.constant 0 : i32
      %dma_wait3A_87 = tpu.memref_slice %arg4[%add3A_13, %dma_wait3A_86] : memref<10008x16xf32, #tpu.memory_space<vmem_shared>> -> memref<128x16xf32, #tpu.memory_space<vmem_shared>>
      %dma_wait3A_88 = arith.constant 0 : i32
      %dma_wait3A_89 = tpu.memref_slice %arg4[%add3A_13, %dma_wait3A_88] : memref<10008x16xf32, #tpu.memory_space<vmem_shared>> -> memref<128x16xf32, #tpu.memory_space<vmem_shared>>
      %dma_wait3A_90 = arith.constant 0 : i32
      %dma_wait3A_91 = arith.constant 0 : i32
      %dma_wait3A_92 = tpu.memref_slice %arg7[%dma_wait3A_90, %dma_wait3A_91] : memref<128x16xf32, #tpu.memory_space<vmem>> -> memref<128x16xf32, #tpu.memory_space<vmem>>
      tpu.wait_dma2 semaphore(%run_scoped3A : memref<!tpu.dma_semaphore, #tpu.memory_space<semaphore_mem>>) src(%dma_wait3A_92 : memref<128x16xf32, #tpu.memory_space<vmem>>) dst(%dma_wait3A_89 : memref<128x16xf32, #tpu.memory_space<vmem_shared>>)
      tpu.yield
    }) : () -> ()
    %add3A_14 = arith.constant 128 : i32
    %add3A_15 = arith.addi %mul3A_11, %add3A_14 : i32
    "tpu.region"() ({
      %run_scoped3A = tpu.sem_alloc : memref<!tpu.dma_semaphore, #tpu.memory_space<semaphore_mem>>
      %dma_start3A_74 = arith.constant 0 : i32
      %dma_start3A_75 = arith.constant 0 : i32
      %dma_start3A_76 = tpu.memref_slice %arg7[%dma_start3A_74, %dma_start3A_75] : memref<128x16xf32, #tpu.memory_space<vmem>> -> memref<128x16xf32, #tpu.memory_space<vmem>>
      %dma_start3A_77 = arith.constant 0 : i32
      %dma_start3A_78 = tpu.memref_slice %arg4[%add3A_15, %dma_start3A_77] : memref<10008x16xf32, #tpu.memory_space<vmem_shared>> -> memref<128x16xf32, #tpu.memory_space<vmem_shared>>
      %dma_start3A_79 = arith.constant 0 : i32
      %dma_start3A_80 = tpu.memref_slice %arg4[%add3A_15, %dma_start3A_79] : memref<10008x16xf32, #tpu.memory_space<vmem_shared>> -> memref<128x16xf32, #tpu.memory_space<vmem_shared>>
      %dma_start3A_81 = arith.constant 0 : i32
      %dma_start3A_82 = arith.constant 0 : i32
      %dma_start3A_83 = tpu.memref_slice %arg7[%dma_start3A_81, %dma_start3A_82] : memref<128x16xf32, #tpu.memory_space<vmem>> -> memref<128x16xf32, #tpu.memory_space<vmem>>
      tpu.enqueue_dma source(%dma_start3A_83 : memref<128x16xf32, #tpu.memory_space<vmem>>) target(%dma_start3A_80 : memref<128x16xf32, #tpu.memory_space<vmem_shared>>) target_semaphore(%run_scoped3A : memref<!tpu.dma_semaphore, #tpu.memory_space<semaphore_mem>>)
      %dma_wait3A = arith.constant 0 : i32
      %dma_wait3A_84 = arith.constant 0 : i32
      %dma_wait3A_85 = tpu.memref_slice %arg7[%dma_wait3A, %dma_wait3A_84] : memref<128x16xf32, #tpu.memory_space<vmem>> -> memref<128x16xf32, #tpu.memory_space<vmem>>
      %dma_wait3A_86 = arith.constant 0 : i32
      %dma_wait3A_87 = tpu.memref_slice %arg4[%add3A_15, %dma_wait3A_86] : memref<10008x16xf32, #tpu.memory_space<vmem_shared>> -> memref<128x16xf32, #tpu.memory_space<vmem_shared>>
      %dma_wait3A_88 = arith.constant 0 : i32
      %dma_wait3A_89 = tpu.memref_slice %arg4[%add3A_15, %dma_wait3A_88] : memref<10008x16xf32, #tpu.memory_space<vmem_shared>> -> memref<128x16xf32, #tpu.memory_space<vmem_shared>>
      %dma_wait3A_90 = arith.constant 0 : i32
      %dma_wait3A_91 = arith.constant 0 : i32
      %dma_wait3A_92 = tpu.memref_slice %arg7[%dma_wait3A_90, %dma_wait3A_91] : memref<128x16xf32, #tpu.memory_space<vmem>> -> memref<128x16xf32, #tpu.memory_space<vmem>>
      tpu.wait_dma2 semaphore(%run_scoped3A : memref<!tpu.dma_semaphore, #tpu.memory_space<semaphore_mem>>) src(%dma_wait3A_92 : memref<128x16xf32, #tpu.memory_space<vmem>>) dst(%dma_wait3A_89 : memref<128x16xf32, #tpu.memory_space<vmem_shared>>)
      tpu.yield
    }) : () -> ()
    %add3A_16 = arith.constant 256 : i32
    %add3A_17 = arith.addi %mul3A_11, %add3A_16 : i32
    "tpu.region"() ({
      %run_scoped3A = tpu.sem_alloc : memref<!tpu.dma_semaphore, #tpu.memory_space<semaphore_mem>>
      %dma_start3A_74 = arith.constant 0 : i32
      %dma_start3A_75 = arith.constant 0 : i32
      %dma_start3A_76 = tpu.memref_slice %arg7[%dma_start3A_74, %dma_start3A_75] : memref<128x16xf32, #tpu.memory_space<vmem>> -> memref<128x16xf32, #tpu.memory_space<vmem>>
      %dma_start3A_77 = arith.constant 0 : i32
      %dma_start3A_78 = tpu.memref_slice %arg4[%add3A_17, %dma_start3A_77] : memref<10008x16xf32, #tpu.memory_space<vmem_shared>> -> memref<128x16xf32, #tpu.memory_space<vmem_shared>>
      %dma_start3A_79 = arith.constant 0 : i32
      %dma_start3A_80 = tpu.memref_slice %arg4[%add3A_17, %dma_start3A_79] : memref<10008x16xf32, #tpu.memory_space<vmem_shared>> -> memref<128x16xf32, #tpu.memory_space<vmem_shared>>
      %dma_start3A_81 = arith.constant 0 : i32
      %dma_start3A_82 = arith.constant 0 : i32
      %dma_start3A_83 = tpu.memref_slice %arg7[%dma_start3A_81, %dma_start3A_82] : memref<128x16xf32, #tpu.memory_space<vmem>> -> memref<128x16xf32, #tpu.memory_space<vmem>>
      tpu.enqueue_dma source(%dma_start3A_83 : memref<128x16xf32, #tpu.memory_space<vmem>>) target(%dma_start3A_80 : memref<128x16xf32, #tpu.memory_space<vmem_shared>>) target_semaphore(%run_scoped3A : memref<!tpu.dma_semaphore, #tpu.memory_space<semaphore_mem>>)
      %dma_wait3A = arith.constant 0 : i32
      %dma_wait3A_84 = arith.constant 0 : i32
      %dma_wait3A_85 = tpu.memref_slice %arg7[%dma_wait3A, %dma_wait3A_84] : memref<128x16xf32, #tpu.memory_space<vmem>> -> memref<128x16xf32, #tpu.memory_space<vmem>>
      %dma_wait3A_86 = arith.constant 0 : i32
      %dma_wait3A_87 = tpu.memref_slice %arg4[%add3A_17, %dma_wait3A_86] : memref<10008x16xf32, #tpu.memory_space<vmem_shared>> -> memref<128x16xf32, #tpu.memory_space<vmem_shared>>
      %dma_wait3A_88 = arith.constant 0 : i32
      %dma_wait3A_89 = tpu.memref_slice %arg4[%add3A_17, %dma_wait3A_88] : memref<10008x16xf32, #tpu.memory_space<vmem_shared>> -> memref<128x16xf32, #tpu.memory_space<vmem_shared>>
      %dma_wait3A_90 = arith.constant 0 : i32
      %dma_wait3A_91 = arith.constant 0 : i32
      %dma_wait3A_92 = tpu.memref_slice %arg7[%dma_wait3A_90, %dma_wait3A_91] : memref<128x16xf32, #tpu.memory_space<vmem>> -> memref<128x16xf32, #tpu.memory_space<vmem>>
      tpu.wait_dma2 semaphore(%run_scoped3A : memref<!tpu.dma_semaphore, #tpu.memory_space<semaphore_mem>>) src(%dma_wait3A_92 : memref<128x16xf32, #tpu.memory_space<vmem>>) dst(%dma_wait3A_89 : memref<128x16xf32, #tpu.memory_space<vmem_shared>>)
      tpu.yield
    }) : () -> ()
    %add3A_18 = arith.constant 384 : i32
    %add3A_19 = arith.addi %mul3A_11, %add3A_18 : i32
    "tpu.region"() ({
      %run_scoped3A = tpu.sem_alloc : memref<!tpu.dma_semaphore, #tpu.memory_space<semaphore_mem>>
      %dma_start3A_74 = arith.constant 0 : i32
      %dma_start3A_75 = arith.constant 0 : i32
      %dma_start3A_76 = tpu.memref_slice %arg7[%dma_start3A_74, %dma_start3A_75] : memref<128x16xf32, #tpu.memory_space<vmem>> -> memref<128x16xf32, #tpu.memory_space<vmem>>
      %dma_start3A_77 = arith.constant 0 : i32
      %dma_start3A_78 = tpu.memref_slice %arg4[%add3A_19, %dma_start3A_77] : memref<10008x16xf32, #tpu.memory_space<vmem_shared>> -> memref<128x16xf32, #tpu.memory_space<vmem_shared>>
      %dma_start3A_79 = arith.constant 0 : i32
      %dma_start3A_80 = tpu.memref_slice %arg4[%add3A_19, %dma_start3A_79] : memref<10008x16xf32, #tpu.memory_space<vmem_shared>> -> memref<128x16xf32, #tpu.memory_space<vmem_shared>>
      %dma_start3A_81 = arith.constant 0 : i32
      %dma_start3A_82 = arith.constant 0 : i32
      %dma_start3A_83 = tpu.memref_slice %arg7[%dma_start3A_81, %dma_start3A_82] : memref<128x16xf32, #tpu.memory_space<vmem>> -> memref<128x16xf32, #tpu.memory_space<vmem>>
      tpu.enqueue_dma source(%dma_start3A_83 : memref<128x16xf32, #tpu.memory_space<vmem>>) target(%dma_start3A_80 : memref<128x16xf32, #tpu.memory_space<vmem_shared>>) target_semaphore(%run_scoped3A : memref<!tpu.dma_semaphore, #tpu.memory_space<semaphore_mem>>)
      %dma_wait3A = arith.constant 0 : i32
      %dma_wait3A_84 = arith.constant 0 : i32
      %dma_wait3A_85 = tpu.memref_slice %arg7[%dma_wait3A, %dma_wait3A_84] : memref<128x16xf32, #tpu.memory_space<vmem>> -> memref<128x16xf32, #tpu.memory_space<vmem>>
      %dma_wait3A_86 = arith.constant 0 : i32
      %dma_wait3A_87 = tpu.memref_slice %arg4[%add3A_19, %dma_wait3A_86] : memref<10008x16xf32, #tpu.memory_space<vmem_shared>> -> memref<128x16xf32, #tpu.memory_space<vmem_shared>>
      %dma_wait3A_88 = arith.constant 0 : i32
      %dma_wait3A_89 = tpu.memref_slice %arg4[%add3A_19, %dma_wait3A_88] : memref<10008x16xf32, #tpu.memory_space<vmem_shared>> -> memref<128x16xf32, #tpu.memory_space<vmem_shared>>
      %dma_wait3A_90 = arith.constant 0 : i32
      %dma_wait3A_91 = arith.constant 0 : i32
      %dma_wait3A_92 = tpu.memref_slice %arg7[%dma_wait3A_90, %dma_wait3A_91] : memref<128x16xf32, #tpu.memory_space<vmem>> -> memref<128x16xf32, #tpu.memory_space<vmem>>
      tpu.wait_dma2 semaphore(%run_scoped3A : memref<!tpu.dma_semaphore, #tpu.memory_space<semaphore_mem>>) src(%dma_wait3A_92 : memref<128x16xf32, #tpu.memory_space<vmem>>) dst(%dma_wait3A_89 : memref<128x16xf32, #tpu.memory_space<vmem_shared>>)
      tpu.yield
    }) : () -> ()
    %add3A_20 = arith.constant 512 : i32
    %add3A_21 = arith.addi %mul3A_11, %add3A_20 : i32
    "tpu.region"() ({
      %run_scoped3A = tpu.sem_alloc : memref<!tpu.dma_semaphore, #tpu.memory_space<semaphore_mem>>
      %dma_start3A_74 = arith.constant 0 : i32
      %dma_start3A_75 = arith.constant 0 : i32
      %dma_start3A_76 = tpu.memref_slice %arg7[%dma_start3A_74, %dma_start3A_75] : memref<128x16xf32, #tpu.memory_space<vmem>> -> memref<112x16xf32, #tpu.memory_space<vmem>>
      %dma_start3A_77 = arith.constant 0 : i32
      %dma_start3A_78 = tpu.memref_slice %arg4[%add3A_21, %dma_start3A_77] : memref<10008x16xf32, #tpu.memory_space<vmem_shared>> -> memref<112x16xf32, #tpu.memory_space<vmem_shared>>
      %dma_start3A_79 = arith.constant 0 : i32
      %dma_start3A_80 = tpu.memref_slice %arg4[%add3A_21, %dma_start3A_79] : memref<10008x16xf32, #tpu.memory_space<vmem_shared>> -> memref<112x16xf32, #tpu.memory_space<vmem_shared>>
      %dma_start3A_81 = arith.constant 0 : i32
      %dma_start3A_82 = arith.constant 0 : i32
      %dma_start3A_83 = tpu.memref_slice %arg7[%dma_start3A_81, %dma_start3A_82] : memref<128x16xf32, #tpu.memory_space<vmem>> -> memref<112x16xf32, #tpu.memory_space<vmem>>
      tpu.enqueue_dma source(%dma_start3A_83 : memref<112x16xf32, #tpu.memory_space<vmem>>) target(%dma_start3A_80 : memref<112x16xf32, #tpu.memory_space<vmem_shared>>) target_semaphore(%run_scoped3A : memref<!tpu.dma_semaphore, #tpu.memory_space<semaphore_mem>>)
      %dma_wait3A = arith.constant 0 : i32
      %dma_wait3A_84 = arith.constant 0 : i32
      %dma_wait3A_85 = tpu.memref_slice %arg7[%dma_wait3A, %dma_wait3A_84] : memref<128x16xf32, #tpu.memory_space<vmem>> -> memref<112x16xf32, #tpu.memory_space<vmem>>
      %dma_wait3A_86 = arith.constant 0 : i32
      %dma_wait3A_87 = tpu.memref_slice %arg4[%add3A_21, %dma_wait3A_86] : memref<10008x16xf32, #tpu.memory_space<vmem_shared>> -> memref<112x16xf32, #tpu.memory_space<vmem_shared>>
      %dma_wait3A_88 = arith.constant 0 : i32
      %dma_wait3A_89 = tpu.memref_slice %arg4[%add3A_21, %dma_wait3A_88] : memref<10008x16xf32, #tpu.memory_space<vmem_shared>> -> memref<112x16xf32, #tpu.memory_space<vmem_shared>>
      %dma_wait3A_90 = arith.constant 0 : i32
      %dma_wait3A_91 = arith.constant 0 : i32
      %dma_wait3A_92 = tpu.memref_slice %arg7[%dma_wait3A_90, %dma_wait3A_91] : memref<128x16xf32, #tpu.memory_space<vmem>> -> memref<112x16xf32, #tpu.memory_space<vmem>>
      tpu.wait_dma2 semaphore(%run_scoped3A : memref<!tpu.dma_semaphore, #tpu.memory_space<semaphore_mem>>) src(%dma_wait3A_92 : memref<112x16xf32, #tpu.memory_space<vmem>>) dst(%dma_wait3A_89 : memref<112x16xf32, #tpu.memory_space<vmem_shared>>)
      tpu.yield
    }) : () -> ()
    %eq3A = arith.constant 15 : i32
    %eq3A_22 = arith.cmpi eq, %arg1, %eq3A : i32
    %convert_element_type3A = arith.extui %eq3A_22 : i1 to i32
    %cond3A = arith.constant 0 : i32
    %cond3A_23 = arith.cmpi ne, %convert_element_type3A, %cond3A : i32
    scf.if %cond3A_23 {
      "tpu.region"() ({
        %run_scoped3A = tpu.sem_alloc : memref<!tpu.dma_semaphore, #tpu.memory_space<semaphore_mem>>
        %dma_start3A_74 = arith.constant 0 : i32
        %dma_start3A_75 = arith.constant 0 : i32
        %dma_start3A_76 = tpu.memref_slice %arg7[%dma_start3A_74, %dma_start3A_75] : memref<128x16xf32, #tpu.memory_space<vmem>> -> memref<16x16xf32, #tpu.memory_space<vmem>>
        %dma_start3A_77 = arith.constant 9984 : i32
        %dma_start3A_78 = arith.constant 0 : i32
        %dma_start3A_79 = tpu.memref_slice %arg4[%dma_start3A_77, %dma_start3A_78] : memref<10008x16xf32, #tpu.memory_space<vmem_shared>> -> memref<16x16xf32, #tpu.memory_space<vmem_shared>>
        %dma_start3A_80 = arith.constant 9984 : i32
        %dma_start3A_81 = arith.constant 0 : i32
        %dma_start3A_82 = tpu.memref_slice %arg4[%dma_start3A_80, %dma_start3A_81] : memref<10008x16xf32, #tpu.memory_space<vmem_shared>> -> memref<16x16xf32, #tpu.memory_space<vmem_shared>>
        %dma_start3A_83 = arith.constant 0 : i32
        %dma_start3A_84 = arith.constant 0 : i32
        %dma_start3A_85 = tpu.memref_slice %arg7[%dma_start3A_83, %dma_start3A_84] : memref<128x16xf32, #tpu.memory_space<vmem>> -> memref<16x16xf32, #tpu.memory_space<vmem>>
        tpu.enqueue_dma source(%dma_start3A_85 : memref<16x16xf32, #tpu.memory_space<vmem>>) target(%dma_start3A_82 : memref<16x16xf32, #tpu.memory_space<vmem_shared>>) target_semaphore(%run_scoped3A : memref<!tpu.dma_semaphore, #tpu.memory_space<semaphore_mem>>)
        %dma_wait3A = arith.constant 0 : i32
        %dma_wait3A_86 = arith.constant 0 : i32
        %dma_wait3A_87 = tpu.memref_slice %arg7[%dma_wait3A, %dma_wait3A_86] : memref<128x16xf32, #tpu.memory_space<vmem>> -> memref<16x16xf32, #tpu.memory_space<vmem>>
        %dma_wait3A_88 = arith.constant 9984 : i32
        %dma_wait3A_89 = arith.constant 0 : i32
        %dma_wait3A_90 = tpu.memref_slice %arg4[%dma_wait3A_88, %dma_wait3A_89] : memref<10008x16xf32, #tpu.memory_space<vmem_shared>> -> memref<16x16xf32, #tpu.memory_space<vmem_shared>>
        %dma_wait3A_91 = arith.constant 9984 : i32
        %dma_wait3A_92 = arith.constant 0 : i32
        %dma_wait3A_93 = tpu.memref_slice %arg4[%dma_wait3A_91, %dma_wait3A_92] : memref<10008x16xf32, #tpu.memory_space<vmem_shared>> -> memref<16x16xf32, #tpu.memory_space<vmem_shared>>
        %dma_wait3A_94 = arith.constant 0 : i32
        %dma_wait3A_95 = arith.constant 0 : i32
        %dma_wait3A_96 = tpu.memref_slice %arg7[%dma_wait3A_94, %dma_wait3A_95] : memref<128x16xf32, #tpu.memory_space<vmem>> -> memref<16x16xf32, #tpu.memory_space<vmem>>
        tpu.wait_dma2 semaphore(%run_scoped3A : memref<!tpu.dma_semaphore, #tpu.memory_space<semaphore_mem>>) src(%dma_wait3A_96 : memref<16x16xf32, #tpu.memory_space<vmem>>) dst(%dma_wait3A_93 : memref<16x16xf32, #tpu.memory_space<vmem_shared>>)
        tpu.yield
      }) : () -> ()
    } else {
    }
    "tpu.region"() ({
      %run_scoped3A = tpu.sem_alloc : memref<!tpu.dma_semaphore, #tpu.memory_space<semaphore_mem>>
      %dma_start3A_74 = arith.constant 0 : i32
      %dma_start3A_75 = arith.constant 0 : i32
      %dma_start3A_76 = tpu.memref_slice %arg2[%add3A, %dma_start3A_74, %dma_start3A_75] : memref<32x80x128xi32, #tpu.memory_space<hbm>> -> memref<1x80x128xi32, #tpu.memory_space<hbm>>
      %dma_start3A_77 = tpu.memref_squeeze %dma_start3A_76 : memref<1x80x128xi32, #tpu.memory_space<hbm>> -> memref<80x128xi32, #tpu.memory_space<hbm>>
      %dma_start3A_78 = arith.constant 0 : i32
      %dma_start3A_79 = arith.constant 0 : i32
      %dma_start3A_80 = tpu.memref_slice %arg2[%add3A, %dma_start3A_78, %dma_start3A_79] : memref<32x80x128xi32, #tpu.memory_space<hbm>> -> memref<1x80x128xi32, #tpu.memory_space<hbm>>
      %dma_start3A_81 = tpu.memref_squeeze %dma_start3A_80 : memref<1x80x128xi32, #tpu.memory_space<hbm>> -> memref<80x128xi32, #tpu.memory_space<hbm>>
      tpu.enqueue_dma source(%dma_start3A_81 : memref<80x128xi32, #tpu.memory_space<hbm>>) target(%arg5 : memref<80x128xi32, #tpu.memory_space<vmem>>) target_semaphore(%run_scoped3A : memref<!tpu.dma_semaphore, #tpu.memory_space<semaphore_mem>>)
      %dma_wait3A = arith.constant 0 : i32
      %dma_wait3A_82 = arith.constant 0 : i32
      %dma_wait3A_83 = tpu.memref_slice %arg2[%add3A, %dma_wait3A, %dma_wait3A_82] : memref<32x80x128xi32, #tpu.memory_space<hbm>> -> memref<1x80x128xi32, #tpu.memory_space<hbm>>
      %dma_wait3A_84 = tpu.memref_squeeze %dma_wait3A_83 : memref<1x80x128xi32, #tpu.memory_space<hbm>> -> memref<80x128xi32, #tpu.memory_space<hbm>>
      %dma_wait3A_85 = arith.constant 0 : i32
      %dma_wait3A_86 = arith.constant 0 : i32
      %dma_wait3A_87 = tpu.memref_slice %arg2[%add3A, %dma_wait3A_85, %dma_wait3A_86] : memref<32x80x128xi32, #tpu.memory_space<hbm>> -> memref<1x80x128xi32, #tpu.memory_space<hbm>>
      %dma_wait3A_88 = tpu.memref_squeeze %dma_wait3A_87 : memref<1x80x128xi32, #tpu.memory_space<hbm>> -> memref<80x128xi32, #tpu.memory_space<hbm>>
      tpu.wait_dma2 semaphore(%run_scoped3A : memref<!tpu.dma_semaphore, #tpu.memory_space<semaphore_mem>>) src(%dma_wait3A_88 : memref<80x128xi32, #tpu.memory_space<hbm>>) dst(%arg5 : memref<80x128xi32, #tpu.memory_space<vmem>>)
      tpu.yield
    }) : () -> ()
    %barrier3A = arith.constant 0 : index
    tpu.barrier barrier_id(%barrier3A)
    %dma_start3A = arith.constant 0 : i32
    %dma_start3A_24 = arith.constant 0 : i32
    %dma_start3A_25 = tpu.memref_slice %arg5[%dma_start3A, %dma_start3A_24] : memref<80x128xi32, #tpu.memory_space<vmem>> -> memref<1x128xi32, #tpu.memory_space<vmem>>
    %dma_start3A_26 = tpu.memref_squeeze %dma_start3A_25 : memref<1x128xi32, #tpu.memory_space<vmem>> -> memref<128xi32, #tpu.memory_space<vmem>>
    %dma_start3A_27 = arith.constant 0 : i32
    %dma_start3A_28 = arith.constant 0 : i32
    %dma_start3A_29 = tpu.memref_slice %arg4[%dma_start3A_27, %dma_start3A_28] : memref<10008x16xf32, #tpu.memory_space<vmem_shared>> -> memref<10008x16xf32, #tpu.memory_space<vmem_shared>>
    tpu.enqueue_indirect_dma source(%arg6 : memref<128x16xf32, #tpu.memory_space<vmem>>) target(%dma_start3A_29 : memref<10008x16xf32, #tpu.memory_space<vmem_shared>>) offsets(%dma_start3A_26 : memref<128xi32, #tpu.memory_space<vmem>>) semaphore(%arg8 : memref<!tpu.dma_semaphore, #tpu.memory_space<semaphore_mem>>) {add = true}
    %dma_start3A_30 = arith.constant 1 : i32
    %dma_start3A_31 = arith.constant 0 : i32
    %dma_start3A_32 = tpu.memref_slice %arg5[%dma_start3A_30, %dma_start3A_31] : memref<80x128xi32, #tpu.memory_space<vmem>> -> memref<1x128xi32, #tpu.memory_space<vmem>>
    %dma_start3A_33 = tpu.memref_squeeze %dma_start3A_32 : memref<1x128xi32, #tpu.memory_space<vmem>> -> memref<128xi32, #tpu.memory_space<vmem>>
    %dma_start3A_34 = arith.constant 0 : i32
    %dma_start3A_35 = arith.constant 0 : i32
    %dma_start3A_36 = tpu.memref_slice %arg4[%dma_start3A_34, %dma_start3A_35] : memref<10008x16xf32, #tpu.memory_space<vmem_shared>> -> memref<10008x16xf32, #tpu.memory_space<vmem_shared>>
    tpu.enqueue_indirect_dma source(%arg6 : memref<128x16xf32, #tpu.memory_space<vmem>>) target(%dma_start3A_36 : memref<10008x16xf32, #tpu.memory_space<vmem_shared>>) offsets(%dma_start3A_33 : memref<128xi32, #tpu.memory_space<vmem>>) semaphore(%arg9 : memref<!tpu.dma_semaphore, #tpu.memory_space<semaphore_mem>>) {add = true}
    %dma_start3A_37 = arith.constant 2 : i32
    %dma_start3A_38 = arith.constant 0 : i32
    %dma_start3A_39 = tpu.memref_slice %arg5[%dma_start3A_37, %dma_start3A_38] : memref<80x128xi32, #tpu.memory_space<vmem>> -> memref<1x128xi32, #tpu.memory_space<vmem>>
    %dma_start3A_40 = tpu.memref_squeeze %dma_start3A_39 : memref<1x128xi32, #tpu.memory_space<vmem>> -> memref<128xi32, #tpu.memory_space<vmem>>
    %dma_start3A_41 = arith.constant 0 : i32
    %dma_start3A_42 = arith.constant 0 : i32
    %dma_start3A_43 = tpu.memref_slice %arg4[%dma_start3A_41, %dma_start3A_42] : memref<10008x16xf32, #tpu.memory_space<vmem_shared>> -> memref<10008x16xf32, #tpu.memory_space<vmem_shared>>
    tpu.enqueue_indirect_dma source(%arg6 : memref<128x16xf32, #tpu.memory_space<vmem>>) target(%dma_start3A_43 : memref<10008x16xf32, #tpu.memory_space<vmem_shared>>) offsets(%dma_start3A_40 : memref<128xi32, #tpu.memory_space<vmem>>) semaphore(%arg10 : memref<!tpu.dma_semaphore, #tpu.memory_space<semaphore_mem>>) {add = true}
    %dma_start3A_44 = arith.constant 3 : i32
    %dma_start3A_45 = arith.constant 0 : i32
    %dma_start3A_46 = tpu.memref_slice %arg5[%dma_start3A_44, %dma_start3A_45] : memref<80x128xi32, #tpu.memory_space<vmem>> -> memref<1x128xi32, #tpu.memory_space<vmem>>
    %dma_start3A_47 = tpu.memref_squeeze %dma_start3A_46 : memref<1x128xi32, #tpu.memory_space<vmem>> -> memref<128xi32, #tpu.memory_space<vmem>>
    %dma_start3A_48 = arith.constant 0 : i32
    %dma_start3A_49 = arith.constant 0 : i32
    %dma_start3A_50 = tpu.memref_slice %arg4[%dma_start3A_48, %dma_start3A_49] : memref<10008x16xf32, #tpu.memory_space<vmem_shared>> -> memref<10008x16xf32, #tpu.memory_space<vmem_shared>>
    tpu.enqueue_indirect_dma source(%arg6 : memref<128x16xf32, #tpu.memory_space<vmem>>) target(%dma_start3A_50 : memref<10008x16xf32, #tpu.memory_space<vmem_shared>>) offsets(%dma_start3A_47 : memref<128xi32, #tpu.memory_space<vmem>>) semaphore(%arg11 : memref<!tpu.dma_semaphore, #tpu.memory_space<semaphore_mem>>) {add = true}
    %scan3A_51 = arith.constant 0 : i32
    %scan3A_52 = arith.constant 20 : i32
    %scan3A_53 = arith.addi %scan3A_51, %scan3A_52 : i32
    %scan3A_54 = arith.constant 1 : i32
    scf.for %scan3A_74 = %scan3A_51 to %scan3A_53 step %scan3A_54  : i32 {
      %mul3A_75 = arith.constant 1 : i32
      %mul3A_76 = arith.muli %scan3A_74, %mul3A_75 : i32
      %add3A_77 = arith.constant 0 : i32
      %add3A_78 = arith.addi %add3A_77, %mul3A_76 : i32
      %mul3A_79 = arith.constant 4 : i32
      %mul3A_80 = arith.muli %add3A_78, %mul3A_79 : i32
      %add3A_81 = arith.constant 0 : i32
      %add3A_82 = arith.addi %mul3A_80, %add3A_81 : i32
      %dma_wait3A = arith.constant 0 : i32
      %dma_wait3A_83 = tpu.memref_slice %arg5[%add3A_82, %dma_wait3A] : memref<80x128xi32, #tpu.memory_space<vmem>> -> memref<1x128xi32, #tpu.memory_space<vmem>>
      %dma_wait3A_84 = tpu.memref_squeeze %dma_wait3A_83 : memref<1x128xi32, #tpu.memory_space<vmem>> -> memref<128xi32, #tpu.memory_space<vmem>>
      %dma_wait3A_85 = arith.constant 0 : i32
      %dma_wait3A_86 = arith.constant 0 : i32
      %dma_wait3A_87 = tpu.memref_slice %arg4[%dma_wait3A_85, %dma_wait3A_86] : memref<10008x16xf32, #tpu.memory_space<vmem_shared>> -> memref<10008x16xf32, #tpu.memory_space<vmem_shared>>
      tpu.wait_indirect_dma semaphore(%arg8 : memref<!tpu.dma_semaphore, #tpu.memory_space<semaphore_mem>>) src(%arg6 : memref<128x16xf32, #tpu.memory_space<vmem>>) dst(%dma_wait3A_87 : memref<10008x16xf32, #tpu.memory_space<vmem_shared>>)
      %lt3A = arith.constant 19 : i32
      %lt3A_88 = arith.cmpi slt, %add3A_78, %lt3A : i32
      %convert_element_type3A_89 = arith.extui %lt3A_88 : i1 to i32
      %cond3A_90 = arith.constant 0 : i32
      %cond3A_91 = arith.cmpi ne, %convert_element_type3A_89, %cond3A_90 : i32
      scf.if %cond3A_91 {
        %add3A_137 = arith.constant 4 : i32
        %add3A_138 = arith.addi %add3A_82, %add3A_137 : i32
        %dma_start3A_139 = arith.constant 0 : i32
        %dma_start3A_140 = tpu.memref_slice %arg5[%add3A_138, %dma_start3A_139] : memref<80x128xi32, #tpu.memory_space<vmem>> -> memref<1x128xi32, #tpu.memory_space<vmem>>
        %dma_start3A_141 = tpu.memref_squeeze %dma_start3A_140 : memref<1x128xi32, #tpu.memory_space<vmem>> -> memref<128xi32, #tpu.memory_space<vmem>>
        %dma_start3A_142 = arith.constant 0 : i32
        %dma_start3A_143 = arith.constant 0 : i32
        %dma_start3A_144 = tpu.memref_slice %arg4[%dma_start3A_142, %dma_start3A_143] : memref<10008x16xf32, #tpu.memory_space<vmem_shared>> -> memref<10008x16xf32, #tpu.memory_space<vmem_shared>>
        tpu.enqueue_indirect_dma source(%arg6 : memref<128x16xf32, #tpu.memory_space<vmem>>) target(%dma_start3A_144 : memref<10008x16xf32, #tpu.memory_space<vmem_shared>>) offsets(%dma_start3A_141 : memref<128xi32, #tpu.memory_space<vmem>>) semaphore(%arg8 : memref<!tpu.dma_semaphore, #tpu.memory_space<semaphore_mem>>) {add = true}
      } else {
      }
      %mul3A_92 = arith.constant 4 : i32
      %mul3A_93 = arith.muli %add3A_78, %mul3A_92 : i32
      %add3A_94 = arith.constant 1 : i32
      %add3A_95 = arith.addi %mul3A_93, %add3A_94 : i32
      %dma_wait3A_96 = arith.constant 0 : i32
      %dma_wait3A_97 = tpu.memref_slice %arg5[%add3A_95, %dma_wait3A_96] : memref<80x128xi32, #tpu.memory_space<vmem>> -> memref<1x128xi32, #tpu.memory_space<vmem>>
      %dma_wait3A_98 = tpu.memref_squeeze %dma_wait3A_97 : memref<1x128xi32, #tpu.memory_space<vmem>> -> memref<128xi32, #tpu.memory_space<vmem>>
      %dma_wait3A_99 = arith.constant 0 : i32
      %dma_wait3A_100 = arith.constant 0 : i32
      %dma_wait3A_101 = tpu.memref_slice %arg4[%dma_wait3A_99, %dma_wait3A_100] : memref<10008x16xf32, #tpu.memory_space<vmem_shared>> -> memref<10008x16xf32, #tpu.memory_space<vmem_shared>>
      tpu.wait_indirect_dma semaphore(%arg9 : memref<!tpu.dma_semaphore, #tpu.memory_space<semaphore_mem>>) src(%arg6 : memref<128x16xf32, #tpu.memory_space<vmem>>) dst(%dma_wait3A_101 : memref<10008x16xf32, #tpu.memory_space<vmem_shared>>)
      %lt3A_102 = arith.constant 19 : i32
      %lt3A_103 = arith.cmpi slt, %add3A_78, %lt3A_102 : i32
      %convert_element_type3A_104 = arith.extui %lt3A_103 : i1 to i32
      %cond3A_105 = arith.constant 0 : i32
      %cond3A_106 = arith.cmpi ne, %convert_element_type3A_104, %cond3A_105 : i32
      scf.if %cond3A_106 {
        %add3A_137 = arith.constant 4 : i32
        %add3A_138 = arith.addi %add3A_95, %add3A_137 : i32
        %dma_start3A_139 = arith.constant 0 : i32
        %dma_start3A_140 = tpu.memref_slice %arg5[%add3A_138, %dma_start3A_139] : memref<80x128xi32, #tpu.memory_space<vmem>> -> memref<1x128xi32, #tpu.memory_space<vmem>>
        %dma_start3A_141 = tpu.memref_squeeze %dma_start3A_140 : memref<1x128xi32, #tpu.memory_space<vmem>> -> memref<128xi32, #tpu.memory_space<vmem>>
        %dma_start3A_142 = arith.constant 0 : i32
        %dma_start3A_143 = arith.constant 0 : i32
        %dma_start3A_144 = tpu.memref_slice %arg4[%dma_start3A_142, %dma_start3A_143] : memref<10008x16xf32, #tpu.memory_space<vmem_shared>> -> memref<10008x16xf32, #tpu.memory_space<vmem_shared>>
        tpu.enqueue_indirect_dma source(%arg6 : memref<128x16xf32, #tpu.memory_space<vmem>>) target(%dma_start3A_144 : memref<10008x16xf32, #tpu.memory_space<vmem_shared>>) offsets(%dma_start3A_141 : memref<128xi32, #tpu.memory_space<vmem>>) semaphore(%arg9 : memref<!tpu.dma_semaphore, #tpu.memory_space<semaphore_mem>>) {add = true}
      } else {
      }
      %mul3A_107 = arith.constant 4 : i32
      %mul3A_108 = arith.muli %add3A_78, %mul3A_107 : i32
      %add3A_109 = arith.constant 2 : i32
      %add3A_110 = arith.addi %mul3A_108, %add3A_109 : i32
      %dma_wait3A_111 = arith.constant 0 : i32
      %dma_wait3A_112 = tpu.memref_slice %arg5[%add3A_110, %dma_wait3A_111] : memref<80x128xi32, #tpu.memory_space<vmem>> -> memref<1x128xi32, #tpu.memory_space<vmem>>
      %dma_wait3A_113 = tpu.memref_squeeze %dma_wait3A_112 : memref<1x128xi32, #tpu.memory_space<vmem>> -> memref<128xi32, #tpu.memory_space<vmem>>
      %dma_wait3A_114 = arith.constant 0 : i32
      %dma_wait3A_115 = arith.constant 0 : i32
      %dma_wait3A_116 = tpu.memref_slice %arg4[%dma_wait3A_114, %dma_wait3A_115] : memref<10008x16xf32, #tpu.memory_space<vmem_shared>> -> memref<10008x16xf32, #tpu.memory_space<vmem_shared>>
      tpu.wait_indirect_dma semaphore(%arg10 : memref<!tpu.dma_semaphore, #tpu.memory_space<semaphore_mem>>) src(%arg6 : memref<128x16xf32, #tpu.memory_space<vmem>>) dst(%dma_wait3A_116 : memref<10008x16xf32, #tpu.memory_space<vmem_shared>>)
      %lt3A_117 = arith.constant 19 : i32
      %lt3A_118 = arith.cmpi slt, %add3A_78, %lt3A_117 : i32
      %convert_element_type3A_119 = arith.extui %lt3A_118 : i1 to i32
      %cond3A_120 = arith.constant 0 : i32
      %cond3A_121 = arith.cmpi ne, %convert_element_type3A_119, %cond3A_120 : i32
      scf.if %cond3A_121 {
        %add3A_137 = arith.constant 4 : i32
        %add3A_138 = arith.addi %add3A_110, %add3A_137 : i32
        %dma_start3A_139 = arith.constant 0 : i32
        %dma_start3A_140 = tpu.memref_slice %arg5[%add3A_138, %dma_start3A_139] : memref<80x128xi32, #tpu.memory_space<vmem>> -> memref<1x128xi32, #tpu.memory_space<vmem>>
        %dma_start3A_141 = tpu.memref_squeeze %dma_start3A_140 : memref<1x128xi32, #tpu.memory_space<vmem>> -> memref<128xi32, #tpu.memory_space<vmem>>
        %dma_start3A_142 = arith.constant 0 : i32
        %dma_start3A_143 = arith.constant 0 : i32
        %dma_start3A_144 = tpu.memref_slice %arg4[%dma_start3A_142, %dma_start3A_143] : memref<10008x16xf32, #tpu.memory_space<vmem_shared>> -> memref<10008x16xf32, #tpu.memory_space<vmem_shared>>
        tpu.enqueue_indirect_dma source(%arg6 : memref<128x16xf32, #tpu.memory_space<vmem>>) target(%dma_start3A_144 : memref<10008x16xf32, #tpu.memory_space<vmem_shared>>) offsets(%dma_start3A_141 : memref<128xi32, #tpu.memory_space<vmem>>) semaphore(%arg10 : memref<!tpu.dma_semaphore, #tpu.memory_space<semaphore_mem>>) {add = true}
      } else {
      }
      %mul3A_122 = arith.constant 4 : i32
      %mul3A_123 = arith.muli %add3A_78, %mul3A_122 : i32
      %add3A_124 = arith.constant 3 : i32
      %add3A_125 = arith.addi %mul3A_123, %add3A_124 : i32
      %dma_wait3A_126 = arith.constant 0 : i32
      %dma_wait3A_127 = tpu.memref_slice %arg5[%add3A_125, %dma_wait3A_126] : memref<80x128xi32, #tpu.memory_space<vmem>> -> memref<1x128xi32, #tpu.memory_space<vmem>>
      %dma_wait3A_128 = tpu.memref_squeeze %dma_wait3A_127 : memref<1x128xi32, #tpu.memory_space<vmem>> -> memref<128xi32, #tpu.memory_space<vmem>>
      %dma_wait3A_129 = arith.constant 0 : i32
      %dma_wait3A_130 = arith.constant 0 : i32
      %dma_wait3A_131 = tpu.memref_slice %arg4[%dma_wait3A_129, %dma_wait3A_130] : memref<10008x16xf32, #tpu.memory_space<vmem_shared>> -> memref<10008x16xf32, #tpu.memory_space<vmem_shared>>
      tpu.wait_indirect_dma semaphore(%arg11 : memref<!tpu.dma_semaphore, #tpu.memory_space<semaphore_mem>>) src(%arg6 : memref<128x16xf32, #tpu.memory_space<vmem>>) dst(%dma_wait3A_131 : memref<10008x16xf32, #tpu.memory_space<vmem_shared>>)
      %lt3A_132 = arith.constant 19 : i32
      %lt3A_133 = arith.cmpi slt, %add3A_78, %lt3A_132 : i32
      %convert_element_type3A_134 = arith.extui %lt3A_133 : i1 to i32
      %cond3A_135 = arith.constant 0 : i32
      %cond3A_136 = arith.cmpi ne, %convert_element_type3A_134, %cond3A_135 : i32
      scf.if %cond3A_136 {
        %add3A_137 = arith.constant 4 : i32
        %add3A_138 = arith.addi %add3A_125, %add3A_137 : i32
        %dma_start3A_139 = arith.constant 0 : i32
        %dma_start3A_140 = tpu.memref_slice %arg5[%add3A_138, %dma_start3A_139] : memref<80x128xi32, #tpu.memory_space<vmem>> -> memref<1x128xi32, #tpu.memory_space<vmem>>
        %dma_start3A_141 = tpu.memref_squeeze %dma_start3A_140 : memref<1x128xi32, #tpu.memory_space<vmem>> -> memref<128xi32, #tpu.memory_space<vmem>>
        %dma_start3A_142 = arith.constant 0 : i32
        %dma_start3A_143 = arith.constant 0 : i32
        %dma_start3A_144 = tpu.memref_slice %arg4[%dma_start3A_142, %dma_start3A_143] : memref<10008x16xf32, #tpu.memory_space<vmem_shared>> -> memref<10008x16xf32, #tpu.memory_space<vmem_shared>>
        tpu.enqueue_indirect_dma source(%arg6 : memref<128x16xf32, #tpu.memory_space<vmem>>) target(%dma_start3A_144 : memref<10008x16xf32, #tpu.memory_space<vmem_shared>>) offsets(%dma_start3A_141 : memref<128xi32, #tpu.memory_space<vmem>>) semaphore(%arg11 : memref<!tpu.dma_semaphore, #tpu.memory_space<semaphore_mem>>) {add = true}
      } else {
      }
    }
    %scan3A_55 = arith.constant 20 : i32
    %barrier3A_56 = arith.constant 0 : index
    tpu.barrier barrier_id(%barrier3A_56)
    %mul3A_57 = arith.constant 624 : i32
    %mul3A_58 = arith.muli %arg1, %mul3A_57 : i32
    %add3A_59 = arith.constant 0 : i32
    %add3A_60 = arith.addi %mul3A_58, %add3A_59 : i32
    "tpu.region"() ({
      %run_scoped3A = tpu.sem_alloc : memref<!tpu.dma_semaphore, #tpu.memory_space<semaphore_mem>>
      %dma_start3A_74 = arith.constant 0 : i32
      %dma_start3A_75 = arith.constant 0 : i32
      %dma_start3A_76 = tpu.memref_slice %arg7[%dma_start3A_74, %dma_start3A_75] : memref<128x16xf32, #tpu.memory_space<vmem>> -> memref<128x16xf32, #tpu.memory_space<vmem>>
      %dma_start3A_77 = arith.constant 0 : i32
      %dma_start3A_78 = tpu.memref_slice %arg4[%add3A_60, %dma_start3A_77] : memref<10008x16xf32, #tpu.memory_space<vmem_shared>> -> memref<128x16xf32, #tpu.memory_space<vmem_shared>>
      %dma_start3A_79 = arith.constant 0 : i32
      %dma_start3A_80 = arith.constant 0 : i32
      %dma_start3A_81 = tpu.memref_slice %arg7[%dma_start3A_79, %dma_start3A_80] : memref<128x16xf32, #tpu.memory_space<vmem>> -> memref<128x16xf32, #tpu.memory_space<vmem>>
      %dma_start3A_82 = arith.constant 0 : i32
      %dma_start3A_83 = tpu.memref_slice %arg4[%add3A_60, %dma_start3A_82] : memref<10008x16xf32, #tpu.memory_space<vmem_shared>> -> memref<128x16xf32, #tpu.memory_space<vmem_shared>>
      tpu.enqueue_dma source(%dma_start3A_83 : memref<128x16xf32, #tpu.memory_space<vmem_shared>>) target(%dma_start3A_81 : memref<128x16xf32, #tpu.memory_space<vmem>>) target_semaphore(%run_scoped3A : memref<!tpu.dma_semaphore, #tpu.memory_space<semaphore_mem>>)
      %dma_wait3A = arith.constant 0 : i32
      %dma_wait3A_84 = arith.constant 0 : i32
      %dma_wait3A_85 = tpu.memref_slice %arg7[%dma_wait3A, %dma_wait3A_84] : memref<128x16xf32, #tpu.memory_space<vmem>> -> memref<128x16xf32, #tpu.memory_space<vmem>>
      %dma_wait3A_86 = arith.constant 0 : i32
      %dma_wait3A_87 = tpu.memref_slice %arg4[%add3A_60, %dma_wait3A_86] : memref<10008x16xf32, #tpu.memory_space<vmem_shared>> -> memref<128x16xf32, #tpu.memory_space<vmem_shared>>
      %dma_wait3A_88 = arith.constant 0 : i32
      %dma_wait3A_89 = arith.constant 0 : i32
      %dma_wait3A_90 = tpu.memref_slice %arg7[%dma_wait3A_88, %dma_wait3A_89] : memref<128x16xf32, #tpu.memory_space<vmem>> -> memref<128x16xf32, #tpu.memory_space<vmem>>
      %dma_wait3A_91 = arith.constant 0 : i32
      %dma_wait3A_92 = tpu.memref_slice %arg4[%add3A_60, %dma_wait3A_91] : memref<10008x16xf32, #tpu.memory_space<vmem_shared>> -> memref<128x16xf32, #tpu.memory_space<vmem_shared>>
      tpu.wait_dma2 semaphore(%run_scoped3A : memref<!tpu.dma_semaphore, #tpu.memory_space<semaphore_mem>>) src(%dma_wait3A_92 : memref<128x16xf32, #tpu.memory_space<vmem_shared>>) dst(%dma_wait3A_90 : memref<128x16xf32, #tpu.memory_space<vmem>>)
      tpu.yield
    }) : () -> ()
    "tpu.region"() ({
      %run_scoped3A = tpu.sem_alloc : memref<!tpu.dma_semaphore, #tpu.memory_space<semaphore_mem>>
      %dma_start3A_74 = arith.constant 0 : i32
      %dma_start3A_75 = arith.constant 0 : i32
      %dma_start3A_76 = tpu.memref_slice %arg7[%dma_start3A_74, %dma_start3A_75] : memref<128x16xf32, #tpu.memory_space<vmem>> -> memref<128x16xf32, #tpu.memory_space<vmem>>
      %dma_start3A_77 = arith.constant 0 : i32
      %dma_start3A_78 = tpu.memref_slice %arg3[%arg0, %add3A_60, %dma_start3A_77] : memref<2x10000x16xf32, #tpu.memory_space<hbm>> -> memref<1x128x16xf32, #tpu.memory_space<hbm>>
      %dma_start3A_79 = tpu.memref_squeeze %dma_start3A_78 : memref<1x128x16xf32, #tpu.memory_space<hbm>> -> memref<128x16xf32, #tpu.memory_space<hbm>>
      %dma_start3A_80 = arith.constant 0 : i32
      %dma_start3A_81 = tpu.memref_slice %arg3[%arg0, %add3A_60, %dma_start3A_80] : memref<2x10000x16xf32, #tpu.memory_space<hbm>> -> memref<1x128x16xf32, #tpu.memory_space<hbm>>
      %dma_start3A_82 = tpu.memref_squeeze %dma_start3A_81 : memref<1x128x16xf32, #tpu.memory_space<hbm>> -> memref<128x16xf32, #tpu.memory_space<hbm>>
      %dma_start3A_83 = arith.constant 0 : i32
      %dma_start3A_84 = arith.constant 0 : i32
      %dma_start3A_85 = tpu.memref_slice %arg7[%dma_start3A_83, %dma_start3A_84] : memref<128x16xf32, #tpu.memory_space<vmem>> -> memref<128x16xf32, #tpu.memory_space<vmem>>
      tpu.enqueue_dma source(%dma_start3A_85 : memref<128x16xf32, #tpu.memory_space<vmem>>) target(%dma_start3A_82 : memref<128x16xf32, #tpu.memory_space<hbm>>) target_semaphore(%run_scoped3A : memref<!tpu.dma_semaphore, #tpu.memory_space<semaphore_mem>>)
      %dma_wait3A = arith.constant 0 : i32
      %dma_wait3A_86 = arith.constant 0 : i32
      %dma_wait3A_87 = tpu.memref_slice %arg7[%dma_wait3A, %dma_wait3A_86] : memref<128x16xf32, #tpu.memory_space<vmem>> -> memref<128x16xf32, #tpu.memory_space<vmem>>
      %dma_wait3A_88 = arith.constant 0 : i32
      %dma_wait3A_89 = tpu.memref_slice %arg3[%arg0, %add3A_60, %dma_wait3A_88] : memref<2x10000x16xf32, #tpu.memory_space<hbm>> -> memref<1x128x16xf32, #tpu.memory_space<hbm>>
      %dma_wait3A_90 = tpu.memref_squeeze %dma_wait3A_89 : memref<1x128x16xf32, #tpu.memory_space<hbm>> -> memref<128x16xf32, #tpu.memory_space<hbm>>
      %dma_wait3A_91 = arith.constant 0 : i32
      %dma_wait3A_92 = tpu.memref_slice %arg3[%arg0, %add3A_60, %dma_wait3A_91] : memref<2x10000x16xf32, #tpu.memory_space<hbm>> -> memref<1x128x16xf32, #tpu.memory_space<hbm>>
      %dma_wait3A_93 = tpu.memref_squeeze %dma_wait3A_92 : memref<1x128x16xf32, #tpu.memory_space<hbm>> -> memref<128x16xf32, #tpu.memory_space<hbm>>
      %dma_wait3A_94 = arith.constant 0 : i32
      %dma_wait3A_95 = arith.constant 0 : i32
      %dma_wait3A_96 = tpu.memref_slice %arg7[%dma_wait3A_94, %dma_wait3A_95] : memref<128x16xf32, #tpu.memory_space<vmem>> -> memref<128x16xf32, #tpu.memory_space<vmem>>
      tpu.wait_dma2 semaphore(%run_scoped3A : memref<!tpu.dma_semaphore, #tpu.memory_space<semaphore_mem>>) src(%dma_wait3A_96 : memref<128x16xf32, #tpu.memory_space<vmem>>) dst(%dma_wait3A_93 : memref<128x16xf32, #tpu.memory_space<hbm>>)
      tpu.yield
    }) : () -> ()
    %add3A_61 = arith.constant 128 : i32
    %add3A_62 = arith.addi %mul3A_58, %add3A_61 : i32
    "tpu.region"() ({
      %run_scoped3A = tpu.sem_alloc : memref<!tpu.dma_semaphore, #tpu.memory_space<semaphore_mem>>
      %dma_start3A_74 = arith.constant 0 : i32
      %dma_start3A_75 = arith.constant 0 : i32
      %dma_start3A_76 = tpu.memref_slice %arg7[%dma_start3A_74, %dma_start3A_75] : memref<128x16xf32, #tpu.memory_space<vmem>> -> memref<128x16xf32, #tpu.memory_space<vmem>>
      %dma_start3A_77 = arith.constant 0 : i32
      %dma_start3A_78 = tpu.memref_slice %arg4[%add3A_62, %dma_start3A_77] : memref<10008x16xf32, #tpu.memory_space<vmem_shared>> -> memref<128x16xf32, #tpu.memory_space<vmem_shared>>
      %dma_start3A_79 = arith.constant 0 : i32
      %dma_start3A_80 = arith.constant 0 : i32
      %dma_start3A_81 = tpu.memref_slice %arg7[%dma_start3A_79, %dma_start3A_80] : memref<128x16xf32, #tpu.memory_space<vmem>> -> memref<128x16xf32, #tpu.memory_space<vmem>>
      %dma_start3A_82 = arith.constant 0 : i32
      %dma_start3A_83 = tpu.memref_slice %arg4[%add3A_62, %dma_start3A_82] : memref<10008x16xf32, #tpu.memory_space<vmem_shared>> -> memref<128x16xf32, #tpu.memory_space<vmem_shared>>
      tpu.enqueue_dma source(%dma_start3A_83 : memref<128x16xf32, #tpu.memory_space<vmem_shared>>) target(%dma_start3A_81 : memref<128x16xf32, #tpu.memory_space<vmem>>) target_semaphore(%run_scoped3A : memref<!tpu.dma_semaphore, #tpu.memory_space<semaphore_mem>>)
      %dma_wait3A = arith.constant 0 : i32
      %dma_wait3A_84 = arith.constant 0 : i32
      %dma_wait3A_85 = tpu.memref_slice %arg7[%dma_wait3A, %dma_wait3A_84] : memref<128x16xf32, #tpu.memory_space<vmem>> -> memref<128x16xf32, #tpu.memory_space<vmem>>
      %dma_wait3A_86 = arith.constant 0 : i32
      %dma_wait3A_87 = tpu.memref_slice %arg4[%add3A_62, %dma_wait3A_86] : memref<10008x16xf32, #tpu.memory_space<vmem_shared>> -> memref<128x16xf32, #tpu.memory_space<vmem_shared>>
      %dma_wait3A_88 = arith.constant 0 : i32
      %dma_wait3A_89 = arith.constant 0 : i32
      %dma_wait3A_90 = tpu.memref_slice %arg7[%dma_wait3A_88, %dma_wait3A_89] : memref<128x16xf32, #tpu.memory_space<vmem>> -> memref<128x16xf32, #tpu.memory_space<vmem>>
      %dma_wait3A_91 = arith.constant 0 : i32
      %dma_wait3A_92 = tpu.memref_slice %arg4[%add3A_62, %dma_wait3A_91] : memref<10008x16xf32, #tpu.memory_space<vmem_shared>> -> memref<128x16xf32, #tpu.memory_space<vmem_shared>>
      tpu.wait_dma2 semaphore(%run_scoped3A : memref<!tpu.dma_semaphore, #tpu.memory_space<semaphore_mem>>) src(%dma_wait3A_92 : memref<128x16xf32, #tpu.memory_space<vmem_shared>>) dst(%dma_wait3A_90 : memref<128x16xf32, #tpu.memory_space<vmem>>)
      tpu.yield
    }) : () -> ()
    "tpu.region"() ({
      %run_scoped3A = tpu.sem_alloc : memref<!tpu.dma_semaphore, #tpu.memory_space<semaphore_mem>>
      %dma_start3A_74 = arith.constant 0 : i32
      %dma_start3A_75 = arith.constant 0 : i32
      %dma_start3A_76 = tpu.memref_slice %arg7[%dma_start3A_74, %dma_start3A_75] : memref<128x16xf32, #tpu.memory_space<vmem>> -> memref<128x16xf32, #tpu.memory_space<vmem>>
      %dma_start3A_77 = arith.constant 0 : i32
      %dma_start3A_78 = tpu.memref_slice %arg3[%arg0, %add3A_62, %dma_start3A_77] : memref<2x10000x16xf32, #tpu.memory_space<hbm>> -> memref<1x128x16xf32, #tpu.memory_space<hbm>>
      %dma_start3A_79 = tpu.memref_squeeze %dma_start3A_78 : memref<1x128x16xf32, #tpu.memory_space<hbm>> -> memref<128x16xf32, #tpu.memory_space<hbm>>
      %dma_start3A_80 = arith.constant 0 : i32
      %dma_start3A_81 = tpu.memref_slice %arg3[%arg0, %add3A_62, %dma_start3A_80] : memref<2x10000x16xf32, #tpu.memory_space<hbm>> -> memref<1x128x16xf32, #tpu.memory_space<hbm>>
      %dma_start3A_82 = tpu.memref_squeeze %dma_start3A_81 : memref<1x128x16xf32, #tpu.memory_space<hbm>> -> memref<128x16xf32, #tpu.memory_space<hbm>>
      %dma_start3A_83 = arith.constant 0 : i32
      %dma_start3A_84 = arith.constant 0 : i32
      %dma_start3A_85 = tpu.memref_slice %arg7[%dma_start3A_83, %dma_start3A_84] : memref<128x16xf32, #tpu.memory_space<vmem>> -> memref<128x16xf32, #tpu.memory_space<vmem>>
      tpu.enqueue_dma source(%dma_start3A_85 : memref<128x16xf32, #tpu.memory_space<vmem>>) target(%dma_start3A_82 : memref<128x16xf32, #tpu.memory_space<hbm>>) target_semaphore(%run_scoped3A : memref<!tpu.dma_semaphore, #tpu.memory_space<semaphore_mem>>)
      %dma_wait3A = arith.constant 0 : i32
      %dma_wait3A_86 = arith.constant 0 : i32
      %dma_wait3A_87 = tpu.memref_slice %arg7[%dma_wait3A, %dma_wait3A_86] : memref<128x16xf32, #tpu.memory_space<vmem>> -> memref<128x16xf32, #tpu.memory_space<vmem>>
      %dma_wait3A_88 = arith.constant 0 : i32
      %dma_wait3A_89 = tpu.memref_slice %arg3[%arg0, %add3A_62, %dma_wait3A_88] : memref<2x10000x16xf32, #tpu.memory_space<hbm>> -> memref<1x128x16xf32, #tpu.memory_space<hbm>>
      %dma_wait3A_90 = tpu.memref_squeeze %dma_wait3A_89 : memref<1x128x16xf32, #tpu.memory_space<hbm>> -> memref<128x16xf32, #tpu.memory_space<hbm>>
      %dma_wait3A_91 = arith.constant 0 : i32
      %dma_wait3A_92 = tpu.memref_slice %arg3[%arg0, %add3A_62, %dma_wait3A_91] : memref<2x10000x16xf32, #tpu.memory_space<hbm>> -> memref<1x128x16xf32, #tpu.memory_space<hbm>>
      %dma_wait3A_93 = tpu.memref_squeeze %dma_wait3A_92 : memref<1x128x16xf32, #tpu.memory_space<hbm>> -> memref<128x16xf32, #tpu.memory_space<hbm>>
      %dma_wait3A_94 = arith.constant 0 : i32
      %dma_wait3A_95 = arith.constant 0 : i32
      %dma_wait3A_96 = tpu.memref_slice %arg7[%dma_wait3A_94, %dma_wait3A_95] : memref<128x16xf32, #tpu.memory_space<vmem>> -> memref<128x16xf32, #tpu.memory_space<vmem>>
      tpu.wait_dma2 semaphore(%run_scoped3A : memref<!tpu.dma_semaphore, #tpu.memory_space<semaphore_mem>>) src(%dma_wait3A_96 : memref<128x16xf32, #tpu.memory_space<vmem>>) dst(%dma_wait3A_93 : memref<128x16xf32, #tpu.memory_space<hbm>>)
      tpu.yield
    }) : () -> ()
    %add3A_63 = arith.constant 256 : i32
    %add3A_64 = arith.addi %mul3A_58, %add3A_63 : i32
    "tpu.region"() ({
      %run_scoped3A = tpu.sem_alloc : memref<!tpu.dma_semaphore, #tpu.memory_space<semaphore_mem>>
      %dma_start3A_74 = arith.constant 0 : i32
      %dma_start3A_75 = arith.constant 0 : i32
      %dma_start3A_76 = tpu.memref_slice %arg7[%dma_start3A_74, %dma_start3A_75] : memref<128x16xf32, #tpu.memory_space<vmem>> -> memref<128x16xf32, #tpu.memory_space<vmem>>
      %dma_start3A_77 = arith.constant 0 : i32
      %dma_start3A_78 = tpu.memref_slice %arg4[%add3A_64, %dma_start3A_77] : memref<10008x16xf32, #tpu.memory_space<vmem_shared>> -> memref<128x16xf32, #tpu.memory_space<vmem_shared>>
      %dma_start3A_79 = arith.constant 0 : i32
      %dma_start3A_80 = arith.constant 0 : i32
      %dma_start3A_81 = tpu.memref_slice %arg7[%dma_start3A_79, %dma_start3A_80] : memref<128x16xf32, #tpu.memory_space<vmem>> -> memref<128x16xf32, #tpu.memory_space<vmem>>
      %dma_start3A_82 = arith.constant 0 : i32
      %dma_start3A_83 = tpu.memref_slice %arg4[%add3A_64, %dma_start3A_82] : memref<10008x16xf32, #tpu.memory_space<vmem_shared>> -> memref<128x16xf32, #tpu.memory_space<vmem_shared>>
      tpu.enqueue_dma source(%dma_start3A_83 : memref<128x16xf32, #tpu.memory_space<vmem_shared>>) target(%dma_start3A_81 : memref<128x16xf32, #tpu.memory_space<vmem>>) target_semaphore(%run_scoped3A : memref<!tpu.dma_semaphore, #tpu.memory_space<semaphore_mem>>)
      %dma_wait3A = arith.constant 0 : i32
      %dma_wait3A_84 = arith.constant 0 : i32
      %dma_wait3A_85 = tpu.memref_slice %arg7[%dma_wait3A, %dma_wait3A_84] : memref<128x16xf32, #tpu.memory_space<vmem>> -> memref<128x16xf32, #tpu.memory_space<vmem>>
      %dma_wait3A_86 = arith.constant 0 : i32
      %dma_wait3A_87 = tpu.memref_slice %arg4[%add3A_64, %dma_wait3A_86] : memref<10008x16xf32, #tpu.memory_space<vmem_shared>> -> memref<128x16xf32, #tpu.memory_space<vmem_shared>>
      %dma_wait3A_88 = arith.constant 0 : i32
      %dma_wait3A_89 = arith.constant 0 : i32
      %dma_wait3A_90 = tpu.memref_slice %arg7[%dma_wait3A_88, %dma_wait3A_89] : memref<128x16xf32, #tpu.memory_space<vmem>> -> memref<128x16xf32, #tpu.memory_space<vmem>>
      %dma_wait3A_91 = arith.constant 0 : i32
      %dma_wait3A_92 = tpu.memref_slice %arg4[%add3A_64, %dma_wait3A_91] : memref<10008x16xf32, #tpu.memory_space<vmem_shared>> -> memref<128x16xf32, #tpu.memory_space<vmem_shared>>
      tpu.wait_dma2 semaphore(%run_scoped3A : memref<!tpu.dma_semaphore, #tpu.memory_space<semaphore_mem>>) src(%dma_wait3A_92 : memref<128x16xf32, #tpu.memory_space<vmem_shared>>) dst(%dma_wait3A_90 : memref<128x16xf32, #tpu.memory_space<vmem>>)
      tpu.yield
    }) : () -> ()
    "tpu.region"() ({
      %run_scoped3A = tpu.sem_alloc : memref<!tpu.dma_semaphore, #tpu.memory_space<semaphore_mem>>
      %dma_start3A_74 = arith.constant 0 : i32
      %dma_start3A_75 = arith.constant 0 : i32
      %dma_start3A_76 = tpu.memref_slice %arg7[%dma_start3A_74, %dma_start3A_75] : memref<128x16xf32, #tpu.memory_space<vmem>> -> memref<128x16xf32, #tpu.memory_space<vmem>>
      %dma_start3A_77 = arith.constant 0 : i32
      %dma_start3A_78 = tpu.memref_slice %arg3[%arg0, %add3A_64, %dma_start3A_77] : memref<2x10000x16xf32, #tpu.memory_space<hbm>> -> memref<1x128x16xf32, #tpu.memory_space<hbm>>
      %dma_start3A_79 = tpu.memref_squeeze %dma_start3A_78 : memref<1x128x16xf32, #tpu.memory_space<hbm>> -> memref<128x16xf32, #tpu.memory_space<hbm>>
      %dma_start3A_80 = arith.constant 0 : i32
      %dma_start3A_81 = tpu.memref_slice %arg3[%arg0, %add3A_64, %dma_start3A_80] : memref<2x10000x16xf32, #tpu.memory_space<hbm>> -> memref<1x128x16xf32, #tpu.memory_space<hbm>>
      %dma_start3A_82 = tpu.memref_squeeze %dma_start3A_81 : memref<1x128x16xf32, #tpu.memory_space<hbm>> -> memref<128x16xf32, #tpu.memory_space<hbm>>
      %dma_start3A_83 = arith.constant 0 : i32
      %dma_start3A_84 = arith.constant 0 : i32
      %dma_start3A_85 = tpu.memref_slice %arg7[%dma_start3A_83, %dma_start3A_84] : memref<128x16xf32, #tpu.memory_space<vmem>> -> memref<128x16xf32, #tpu.memory_space<vmem>>
      tpu.enqueue_dma source(%dma_start3A_85 : memref<128x16xf32, #tpu.memory_space<vmem>>) target(%dma_start3A_82 : memref<128x16xf32, #tpu.memory_space<hbm>>) target_semaphore(%run_scoped3A : memref<!tpu.dma_semaphore, #tpu.memory_space<semaphore_mem>>)
      %dma_wait3A = arith.constant 0 : i32
      %dma_wait3A_86 = arith.constant 0 : i32
      %dma_wait3A_87 = tpu.memref_slice %arg7[%dma_wait3A, %dma_wait3A_86] : memref<128x16xf32, #tpu.memory_space<vmem>> -> memref<128x16xf32, #tpu.memory_space<vmem>>
      %dma_wait3A_88 = arith.constant 0 : i32
      %dma_wait3A_89 = tpu.memref_slice %arg3[%arg0, %add3A_64, %dma_wait3A_88] : memref<2x10000x16xf32, #tpu.memory_space<hbm>> -> memref<1x128x16xf32, #tpu.memory_space<hbm>>
      %dma_wait3A_90 = tpu.memref_squeeze %dma_wait3A_89 : memref<1x128x16xf32, #tpu.memory_space<hbm>> -> memref<128x16xf32, #tpu.memory_space<hbm>>
      %dma_wait3A_91 = arith.constant 0 : i32
      %dma_wait3A_92 = tpu.memref_slice %arg3[%arg0, %add3A_64, %dma_wait3A_91] : memref<2x10000x16xf32, #tpu.memory_space<hbm>> -> memref<1x128x16xf32, #tpu.memory_space<hbm>>
      %dma_wait3A_93 = tpu.memref_squeeze %dma_wait3A_92 : memref<1x128x16xf32, #tpu.memory_space<hbm>> -> memref<128x16xf32, #tpu.memory_space<hbm>>
      %dma_wait3A_94 = arith.constant 0 : i32
      %dma_wait3A_95 = arith.constant 0 : i32
      %dma_wait3A_96 = tpu.memref_slice %arg7[%dma_wait3A_94, %dma_wait3A_95] : memref<128x16xf32, #tpu.memory_space<vmem>> -> memref<128x16xf32, #tpu.memory_space<vmem>>
      tpu.wait_dma2 semaphore(%run_scoped3A : memref<!tpu.dma_semaphore, #tpu.memory_space<semaphore_mem>>) src(%dma_wait3A_96 : memref<128x16xf32, #tpu.memory_space<vmem>>) dst(%dma_wait3A_93 : memref<128x16xf32, #tpu.memory_space<hbm>>)
      tpu.yield
    }) : () -> ()
    %add3A_65 = arith.constant 384 : i32
    %add3A_66 = arith.addi %mul3A_58, %add3A_65 : i32
    "tpu.region"() ({
      %run_scoped3A = tpu.sem_alloc : memref<!tpu.dma_semaphore, #tpu.memory_space<semaphore_mem>>
      %dma_start3A_74 = arith.constant 0 : i32
      %dma_start3A_75 = arith.constant 0 : i32
      %dma_start3A_76 = tpu.memref_slice %arg7[%dma_start3A_74, %dma_start3A_75] : memref<128x16xf32, #tpu.memory_space<vmem>> -> memref<128x16xf32, #tpu.memory_space<vmem>>
      %dma_start3A_77 = arith.constant 0 : i32
      %dma_start3A_78 = tpu.memref_slice %arg4[%add3A_66, %dma_start3A_77] : memref<10008x16xf32, #tpu.memory_space<vmem_shared>> -> memref<128x16xf32, #tpu.memory_space<vmem_shared>>
      %dma_start3A_79 = arith.constant 0 : i32
      %dma_start3A_80 = arith.constant 0 : i32
      %dma_start3A_81 = tpu.memref_slice %arg7[%dma_start3A_79, %dma_start3A_80] : memref<128x16xf32, #tpu.memory_space<vmem>> -> memref<128x16xf32, #tpu.memory_space<vmem>>
      %dma_start3A_82 = arith.constant 0 : i32
      %dma_start3A_83 = tpu.memref_slice %arg4[%add3A_66, %dma_start3A_82] : memref<10008x16xf32, #tpu.memory_space<vmem_shared>> -> memref<128x16xf32, #tpu.memory_space<vmem_shared>>
      tpu.enqueue_dma source(%dma_start3A_83 : memref<128x16xf32, #tpu.memory_space<vmem_shared>>) target(%dma_start3A_81 : memref<128x16xf32, #tpu.memory_space<vmem>>) target_semaphore(%run_scoped3A : memref<!tpu.dma_semaphore, #tpu.memory_space<semaphore_mem>>)
      %dma_wait3A = arith.constant 0 : i32
      %dma_wait3A_84 = arith.constant 0 : i32
      %dma_wait3A_85 = tpu.memref_slice %arg7[%dma_wait3A, %dma_wait3A_84] : memref<128x16xf32, #tpu.memory_space<vmem>> -> memref<128x16xf32, #tpu.memory_space<vmem>>
      %dma_wait3A_86 = arith.constant 0 : i32
      %dma_wait3A_87 = tpu.memref_slice %arg4[%add3A_66, %dma_wait3A_86] : memref<10008x16xf32, #tpu.memory_space<vmem_shared>> -> memref<128x16xf32, #tpu.memory_space<vmem_shared>>
      %dma_wait3A_88 = arith.constant 0 : i32
      %dma_wait3A_89 = arith.constant 0 : i32
      %dma_wait3A_90 = tpu.memref_slice %arg7[%dma_wait3A_88, %dma_wait3A_89] : memref<128x16xf32, #tpu.memory_space<vmem>> -> memref<128x16xf32, #tpu.memory_space<vmem>>
      %dma_wait3A_91 = arith.constant 0 : i32
      %dma_wait3A_92 = tpu.memref_slice %arg4[%add3A_66, %dma_wait3A_91] : memref<10008x16xf32, #tpu.memory_space<vmem_shared>> -> memref<128x16xf32, #tpu.memory_space<vmem_shared>>
      tpu.wait_dma2 semaphore(%run_scoped3A : memref<!tpu.dma_semaphore, #tpu.memory_space<semaphore_mem>>) src(%dma_wait3A_92 : memref<128x16xf32, #tpu.memory_space<vmem_shared>>) dst(%dma_wait3A_90 : memref<128x16xf32, #tpu.memory_space<vmem>>)
      tpu.yield
    }) : () -> ()
    "tpu.region"() ({
      %run_scoped3A = tpu.sem_alloc : memref<!tpu.dma_semaphore, #tpu.memory_space<semaphore_mem>>
      %dma_start3A_74 = arith.constant 0 : i32
      %dma_start3A_75 = arith.constant 0 : i32
      %dma_start3A_76 = tpu.memref_slice %arg7[%dma_start3A_74, %dma_start3A_75] : memref<128x16xf32, #tpu.memory_space<vmem>> -> memref<128x16xf32, #tpu.memory_space<vmem>>
      %dma_start3A_77 = arith.constant 0 : i32
      %dma_start3A_78 = tpu.memref_slice %arg3[%arg0, %add3A_66, %dma_start3A_77] : memref<2x10000x16xf32, #tpu.memory_space<hbm>> -> memref<1x128x16xf32, #tpu.memory_space<hbm>>
      %dma_start3A_79 = tpu.memref_squeeze %dma_start3A_78 : memref<1x128x16xf32, #tpu.memory_space<hbm>> -> memref<128x16xf32, #tpu.memory_space<hbm>>
      %dma_start3A_80 = arith.constant 0 : i32
      %dma_start3A_81 = tpu.memref_slice %arg3[%arg0, %add3A_66, %dma_start3A_80] : memref<2x10000x16xf32, #tpu.memory_space<hbm>> -> memref<1x128x16xf32, #tpu.memory_space<hbm>>
      %dma_start3A_82 = tpu.memref_squeeze %dma_start3A_81 : memref<1x128x16xf32, #tpu.memory_space<hbm>> -> memref<128x16xf32, #tpu.memory_space<hbm>>
      %dma_start3A_83 = arith.constant 0 : i32
      %dma_start3A_84 = arith.constant 0 : i32
      %dma_start3A_85 = tpu.memref_slice %arg7[%dma_start3A_83, %dma_start3A_84] : memref<128x16xf32, #tpu.memory_space<vmem>> -> memref<128x16xf32, #tpu.memory_space<vmem>>
      tpu.enqueue_dma source(%dma_start3A_85 : memref<128x16xf32, #tpu.memory_space<vmem>>) target(%dma_start3A_82 : memref<128x16xf32, #tpu.memory_space<hbm>>) target_semaphore(%run_scoped3A : memref<!tpu.dma_semaphore, #tpu.memory_space<semaphore_mem>>)
      %dma_wait3A = arith.constant 0 : i32
      %dma_wait3A_86 = arith.constant 0 : i32
      %dma_wait3A_87 = tpu.memref_slice %arg7[%dma_wait3A, %dma_wait3A_86] : memref<128x16xf32, #tpu.memory_space<vmem>> -> memref<128x16xf32, #tpu.memory_space<vmem>>
      %dma_wait3A_88 = arith.constant 0 : i32
      %dma_wait3A_89 = tpu.memref_slice %arg3[%arg0, %add3A_66, %dma_wait3A_88] : memref<2x10000x16xf32, #tpu.memory_space<hbm>> -> memref<1x128x16xf32, #tpu.memory_space<hbm>>
      %dma_wait3A_90 = tpu.memref_squeeze %dma_wait3A_89 : memref<1x128x16xf32, #tpu.memory_space<hbm>> -> memref<128x16xf32, #tpu.memory_space<hbm>>
      %dma_wait3A_91 = arith.constant 0 : i32
      %dma_wait3A_92 = tpu.memref_slice %arg3[%arg0, %add3A_66, %dma_wait3A_91] : memref<2x10000x16xf32, #tpu.memory_space<hbm>> -> memref<1x128x16xf32, #tpu.memory_space<hbm>>
      %dma_wait3A_93 = tpu.memref_squeeze %dma_wait3A_92 : memref<1x128x16xf32, #tpu.memory_space<hbm>> -> memref<128x16xf32, #tpu.memory_space<hbm>>
      %dma_wait3A_94 = arith.constant 0 : i32
      %dma_wait3A_95 = arith.constant 0 : i32
      %dma_wait3A_96 = tpu.memref_slice %arg7[%dma_wait3A_94, %dma_wait3A_95] : memref<128x16xf32, #tpu.memory_space<vmem>> -> memref<128x16xf32, #tpu.memory_space<vmem>>
      tpu.wait_dma2 semaphore(%run_scoped3A : memref<!tpu.dma_semaphore, #tpu.memory_space<semaphore_mem>>) src(%dma_wait3A_96 : memref<128x16xf32, #tpu.memory_space<vmem>>) dst(%dma_wait3A_93 : memref<128x16xf32, #tpu.memory_space<hbm>>)
      tpu.yield
    }) : () -> ()
    %add3A_67 = arith.constant 512 : i32
    %add3A_68 = arith.addi %mul3A_58, %add3A_67 : i32
    "tpu.region"() ({
      %run_scoped3A = tpu.sem_alloc : memref<!tpu.dma_semaphore, #tpu.memory_space<semaphore_mem>>
      %dma_start3A_74 = arith.constant 0 : i32
      %dma_start3A_75 = arith.constant 0 : i32
      %dma_start3A_76 = tpu.memref_slice %arg7[%dma_start3A_74, %dma_start3A_75] : memref<128x16xf32, #tpu.memory_space<vmem>> -> memref<112x16xf32, #tpu.memory_space<vmem>>
      %dma_start3A_77 = arith.constant 0 : i32
      %dma_start3A_78 = tpu.memref_slice %arg4[%add3A_68, %dma_start3A_77] : memref<10008x16xf32, #tpu.memory_space<vmem_shared>> -> memref<112x16xf32, #tpu.memory_space<vmem_shared>>
      %dma_start3A_79 = arith.constant 0 : i32
      %dma_start3A_80 = arith.constant 0 : i32
      %dma_start3A_81 = tpu.memref_slice %arg7[%dma_start3A_79, %dma_start3A_80] : memref<128x16xf32, #tpu.memory_space<vmem>> -> memref<112x16xf32, #tpu.memory_space<vmem>>
      %dma_start3A_82 = arith.constant 0 : i32
      %dma_start3A_83 = tpu.memref_slice %arg4[%add3A_68, %dma_start3A_82] : memref<10008x16xf32, #tpu.memory_space<vmem_shared>> -> memref<112x16xf32, #tpu.memory_space<vmem_shared>>
      tpu.enqueue_dma source(%dma_start3A_83 : memref<112x16xf32, #tpu.memory_space<vmem_shared>>) target(%dma_start3A_81 : memref<112x16xf32, #tpu.memory_space<vmem>>) target_semaphore(%run_scoped3A : memref<!tpu.dma_semaphore, #tpu.memory_space<semaphore_mem>>)
      %dma_wait3A = arith.constant 0 : i32
      %dma_wait3A_84 = arith.constant 0 : i32
      %dma_wait3A_85 = tpu.memref_slice %arg7[%dma_wait3A, %dma_wait3A_84] : memref<128x16xf32, #tpu.memory_space<vmem>> -> memref<112x16xf32, #tpu.memory_space<vmem>>
      %dma_wait3A_86 = arith.constant 0 : i32
      %dma_wait3A_87 = tpu.memref_slice %arg4[%add3A_68, %dma_wait3A_86] : memref<10008x16xf32, #tpu.memory_space<vmem_shared>> -> memref<112x16xf32, #tpu.memory_space<vmem_shared>>
      %dma_wait3A_88 = arith.constant 0 : i32
      %dma_wait3A_89 = arith.constant 0 : i32
      %dma_wait3A_90 = tpu.memref_slice %arg7[%dma_wait3A_88, %dma_wait3A_89] : memref<128x16xf32, #tpu.memory_space<vmem>> -> memref<112x16xf32, #tpu.memory_space<vmem>>
      %dma_wait3A_91 = arith.constant 0 : i32
      %dma_wait3A_92 = tpu.memref_slice %arg4[%add3A_68, %dma_wait3A_91] : memref<10008x16xf32, #tpu.memory_space<vmem_shared>> -> memref<112x16xf32, #tpu.memory_space<vmem_shared>>
      tpu.wait_dma2 semaphore(%run_scoped3A : memref<!tpu.dma_semaphore, #tpu.memory_space<semaphore_mem>>) src(%dma_wait3A_92 : memref<112x16xf32, #tpu.memory_space<vmem_shared>>) dst(%dma_wait3A_90 : memref<112x16xf32, #tpu.memory_space<vmem>>)
      tpu.yield
    }) : () -> ()
    "tpu.region"() ({
      %run_scoped3A = tpu.sem_alloc : memref<!tpu.dma_semaphore, #tpu.memory_space<semaphore_mem>>
      %dma_start3A_74 = arith.constant 0 : i32
      %dma_start3A_75 = arith.constant 0 : i32
      %dma_start3A_76 = tpu.memref_slice %arg7[%dma_start3A_74, %dma_start3A_75] : memref<128x16xf32, #tpu.memory_space<vmem>> -> memref<112x16xf32, #tpu.memory_space<vmem>>
      %dma_start3A_77 = arith.constant 0 : i32
      %dma_start3A_78 = tpu.memref_slice %arg3[%arg0, %add3A_68, %dma_start3A_77] : memref<2x10000x16xf32, #tpu.memory_space<hbm>> -> memref<1x112x16xf32, #tpu.memory_space<hbm>>
      %dma_start3A_79 = tpu.memref_squeeze %dma_start3A_78 : memref<1x112x16xf32, #tpu.memory_space<hbm>> -> memref<112x16xf32, #tpu.memory_space<hbm>>
      %dma_start3A_80 = arith.constant 0 : i32
      %dma_start3A_81 = tpu.memref_slice %arg3[%arg0, %add3A_68, %dma_start3A_80] : memref<2x10000x16xf32, #tpu.memory_space<hbm>> -> memref<1x112x16xf32, #tpu.memory_space<hbm>>
      %dma_start3A_82 = tpu.memref_squeeze %dma_start3A_81 : memref<1x112x16xf32, #tpu.memory_space<hbm>> -> memref<112x16xf32, #tpu.memory_space<hbm>>
      %dma_start3A_83 = arith.constant 0 : i32
      %dma_start3A_84 = arith.constant 0 : i32
      %dma_start3A_85 = tpu.memref_slice %arg7[%dma_start3A_83, %dma_start3A_84] : memref<128x16xf32, #tpu.memory_space<vmem>> -> memref<112x16xf32, #tpu.memory_space<vmem>>
      tpu.enqueue_dma source(%dma_start3A_85 : memref<112x16xf32, #tpu.memory_space<vmem>>) target(%dma_start3A_82 : memref<112x16xf32, #tpu.memory_space<hbm>>) target_semaphore(%run_scoped3A : memref<!tpu.dma_semaphore, #tpu.memory_space<semaphore_mem>>)
      %dma_wait3A = arith.constant 0 : i32
      %dma_wait3A_86 = arith.constant 0 : i32
      %dma_wait3A_87 = tpu.memref_slice %arg7[%dma_wait3A, %dma_wait3A_86] : memref<128x16xf32, #tpu.memory_space<vmem>> -> memref<112x16xf32, #tpu.memory_space<vmem>>
      %dma_wait3A_88 = arith.constant 0 : i32
      %dma_wait3A_89 = tpu.memref_slice %arg3[%arg0, %add3A_68, %dma_wait3A_88] : memref<2x10000x16xf32, #tpu.memory_space<hbm>> -> memref<1x112x16xf32, #tpu.memory_space<hbm>>
      %dma_wait3A_90 = tpu.memref_squeeze %dma_wait3A_89 : memref<1x112x16xf32, #tpu.memory_space<hbm>> -> memref<112x16xf32, #tpu.memory_space<hbm>>
      %dma_wait3A_91 = arith.constant 0 : i32
      %dma_wait3A_92 = tpu.memref_slice %arg3[%arg0, %add3A_68, %dma_wait3A_91] : memref<2x10000x16xf32, #tpu.memory_space<hbm>> -> memref<1x112x16xf32, #tpu.memory_space<hbm>>
      %dma_wait3A_93 = tpu.memref_squeeze %dma_wait3A_92 : memref<1x112x16xf32, #tpu.memory_space<hbm>> -> memref<112x16xf32, #tpu.memory_space<hbm>>
      %dma_wait3A_94 = arith.constant 0 : i32
      %dma_wait3A_95 = arith.constant 0 : i32
      %dma_wait3A_96 = tpu.memref_slice %arg7[%dma_wait3A_94, %dma_wait3A_95] : memref<128x16xf32, #tpu.memory_space<vmem>> -> memref<112x16xf32, #tpu.memory_space<vmem>>
      tpu.wait_dma2 semaphore(%run_scoped3A : memref<!tpu.dma_semaphore, #tpu.memory_space<semaphore_mem>>) src(%dma_wait3A_96 : memref<112x16xf32, #tpu.memory_space<vmem>>) dst(%dma_wait3A_93 : memref<112x16xf32, #tpu.memory_space<hbm>>)
      tpu.yield
    }) : () -> ()
    %eq3A_69 = arith.constant 15 : i32
    %eq3A_70 = arith.cmpi eq, %arg1, %eq3A_69 : i32
    %convert_element_type3A_71 = arith.extui %eq3A_70 : i1 to i32
    %cond3A_72 = arith.constant 0 : i32
    %cond3A_73 = arith.cmpi ne, %convert_element_type3A_71, %cond3A_72 : i32
    scf.if %cond3A_73 {
      "tpu.region"() ({
        %run_scoped3A = tpu.sem_alloc : memref<!tpu.dma_semaphore, #tpu.memory_space<semaphore_mem>>
        %dma_start3A_74 = arith.constant 0 : i32
        %dma_start3A_75 = arith.constant 0 : i32
        %dma_start3A_76 = tpu.memref_slice %arg7[%dma_start3A_74, %dma_start3A_75] : memref<128x16xf32, #tpu.memory_space<vmem>> -> memref<16x16xf32, #tpu.memory_space<vmem>>
        %dma_start3A_77 = arith.constant 9984 : i32
        %dma_start3A_78 = arith.constant 0 : i32
        %dma_start3A_79 = tpu.memref_slice %arg4[%dma_start3A_77, %dma_start3A_78] : memref<10008x16xf32, #tpu.memory_space<vmem_shared>> -> memref<16x16xf32, #tpu.memory_space<vmem_shared>>
        %dma_start3A_80 = arith.constant 0 : i32
        %dma_start3A_81 = arith.constant 0 : i32
        %dma_start3A_82 = tpu.memref_slice %arg7[%dma_start3A_80, %dma_start3A_81] : memref<128x16xf32, #tpu.memory_space<vmem>> -> memref<16x16xf32, #tpu.memory_space<vmem>>
        %dma_start3A_83 = arith.constant 9984 : i32
        %dma_start3A_84 = arith.constant 0 : i32
        %dma_start3A_85 = tpu.memref_slice %arg4[%dma_start3A_83, %dma_start3A_84] : memref<10008x16xf32, #tpu.memory_space<vmem_shared>> -> memref<16x16xf32, #tpu.memory_space<vmem_shared>>
        tpu.enqueue_dma source(%dma_start3A_85 : memref<16x16xf32, #tpu.memory_space<vmem_shared>>) target(%dma_start3A_82 : memref<16x16xf32, #tpu.memory_space<vmem>>) target_semaphore(%run_scoped3A : memref<!tpu.dma_semaphore, #tpu.memory_space<semaphore_mem>>)
        %dma_wait3A = arith.constant 0 : i32
        %dma_wait3A_86 = arith.constant 0 : i32
        %dma_wait3A_87 = tpu.memref_slice %arg7[%dma_wait3A, %dma_wait3A_86] : memref<128x16xf32, #tpu.memory_space<vmem>> -> memref<16x16xf32, #tpu.memory_space<vmem>>
        %dma_wait3A_88 = arith.constant 9984 : i32
        %dma_wait3A_89 = arith.constant 0 : i32
        %dma_wait3A_90 = tpu.memref_slice %arg4[%dma_wait3A_88, %dma_wait3A_89] : memref<10008x16xf32, #tpu.memory_space<vmem_shared>> -> memref<16x16xf32, #tpu.memory_space<vmem_shared>>
        %dma_wait3A_91 = arith.constant 0 : i32
        %dma_wait3A_92 = arith.constant 0 : i32
        %dma_wait3A_93 = tpu.memref_slice %arg7[%dma_wait3A_91, %dma_wait3A_92] : memref<128x16xf32, #tpu.memory_space<vmem>> -> memref<16x16xf32, #tpu.memory_space<vmem>>
        %dma_wait3A_94 = arith.constant 9984 : i32
        %dma_wait3A_95 = arith.constant 0 : i32
        %dma_wait3A_96 = tpu.memref_slice %arg4[%dma_wait3A_94, %dma_wait3A_95] : memref<10008x16xf32, #tpu.memory_space<vmem_shared>> -> memref<16x16xf32, #tpu.memory_space<vmem_shared>>
        tpu.wait_dma2 semaphore(%run_scoped3A : memref<!tpu.dma_semaphore, #tpu.memory_space<semaphore_mem>>) src(%dma_wait3A_96 : memref<16x16xf32, #tpu.memory_space<vmem_shared>>) dst(%dma_wait3A_93 : memref<16x16xf32, #tpu.memory_space<vmem>>)
        tpu.yield
      }) : () -> ()
      "tpu.region"() ({
        %run_scoped3A = tpu.sem_alloc : memref<!tpu.dma_semaphore, #tpu.memory_space<semaphore_mem>>
        %dma_start3A_74 = arith.constant 0 : i32
        %dma_start3A_75 = arith.constant 0 : i32
        %dma_start3A_76 = tpu.memref_slice %arg7[%dma_start3A_74, %dma_start3A_75] : memref<128x16xf32, #tpu.memory_space<vmem>> -> memref<16x16xf32, #tpu.memory_space<vmem>>
        %dma_start3A_77 = arith.constant 9984 : i32
        %dma_start3A_78 = arith.constant 0 : i32
        %dma_start3A_79 = tpu.memref_slice %arg3[%arg0, %dma_start3A_77, %dma_start3A_78] : memref<2x10000x16xf32, #tpu.memory_space<hbm>> -> memref<1x16x16xf32, #tpu.memory_space<hbm>>
        %dma_start3A_80 = tpu.memref_squeeze %dma_start3A_79 : memref<1x16x16xf32, #tpu.memory_space<hbm>> -> memref<16x16xf32, #tpu.memory_space<hbm>>
        %dma_start3A_81 = arith.constant 9984 : i32
        %dma_start3A_82 = arith.constant 0 : i32
        %dma_start3A_83 = tpu.memref_slice %arg3[%arg0, %dma_start3A_81, %dma_start3A_82] : memref<2x10000x16xf32, #tpu.memory_space<hbm>> -> memref<1x16x16xf32, #tpu.memory_space<hbm>>
        %dma_start3A_84 = tpu.memref_squeeze %dma_start3A_83 : memref<1x16x16xf32, #tpu.memory_space<hbm>> -> memref<16x16xf32, #tpu.memory_space<hbm>>
        %dma_start3A_85 = arith.constant 0 : i32
        %dma_start3A_86 = arith.constant 0 : i32
        %dma_start3A_87 = tpu.memref_slice %arg7[%dma_start3A_85, %dma_start3A_86] : memref<128x16xf32, #tpu.memory_space<vmem>> -> memref<16x16xf32, #tpu.memory_space<vmem>>
        tpu.enqueue_dma source(%dma_start3A_87 : memref<16x16xf32, #tpu.memory_space<vmem>>) target(%dma_start3A_84 : memref<16x16xf32, #tpu.memory_space<hbm>>) target_semaphore(%run_scoped3A : memref<!tpu.dma_semaphore, #tpu.memory_space<semaphore_mem>>)
        %dma_wait3A = arith.constant 0 : i32
        %dma_wait3A_88 = arith.constant 0 : i32
        %dma_wait3A_89 = tpu.memref_slice %arg7[%dma_wait3A, %dma_wait3A_88] : memref<128x16xf32, #tpu.memory_space<vmem>> -> memref<16x16xf32, #tpu.memory_space<vmem>>
        %dma_wait3A_90 = arith.constant 9984 : i32
        %dma_wait3A_91 = arith.constant 0 : i32
        %dma_wait3A_92 = tpu.memref_slice %arg3[%arg0, %dma_wait3A_90, %dma_wait3A_91] : memref<2x10000x16xf32, #tpu.memory_space<hbm>> -> memref<1x16x16xf32, #tpu.memory_space<hbm>>
        %dma_wait3A_93 = tpu.memref_squeeze %dma_wait3A_92 : memref<1x16x16xf32, #tpu.memory_space<hbm>> -> memref<16x16xf32, #tpu.memory_space<hbm>>
        %dma_wait3A_94 = arith.constant 9984 : i32
        %dma_wait3A_95 = arith.constant 0 : i32
        %dma_wait3A_96 = tpu.memref_slice %arg3[%arg0, %dma_wait3A_94, %dma_wait3A_95] : memref<2x10000x16xf32, #tpu.memory_space<hbm>> -> memref<1x16x16xf32, #tpu.memory_space<hbm>>
        %dma_wait3A_97 = tpu.memref_squeeze %dma_wait3A_96 : memref<1x16x16xf32, #tpu.memory_space<hbm>> -> memref<16x16xf32, #tpu.memory_space<hbm>>
        %dma_wait3A_98 = arith.constant 0 : i32
        %dma_wait3A_99 = arith.constant 0 : i32
        %dma_wait3A_100 = tpu.memref_slice %arg7[%dma_wait3A_98, %dma_wait3A_99] : memref<128x16xf32, #tpu.memory_space<vmem>> -> memref<16x16xf32, #tpu.memory_space<vmem>>
        tpu.wait_dma2 semaphore(%run_scoped3A : memref<!tpu.dma_semaphore, #tpu.memory_space<semaphore_mem>>) src(%dma_wait3A_100 : memref<16x16xf32, #tpu.memory_space<vmem>>) dst(%dma_wait3A_97 : memref<16x16xf32, #tpu.memory_space<hbm>>)
        tpu.yield
      }) : () -> ()
    } else {
    }
    return
  }
}

</mosaic_0001>

<sc_bundles>
// kernel: _sc_degree.3.cloned.1.call-start
scs
__scs_entry_jumppad:
0x0: {  	(pc) =	sbr.rel $0x88, $3  }
0x1: {  	(tag) =	ssettag $0x0;
	lr =	simm.s32 $0x1  }
0x2: {  	[smem:$0x3FA0] =	sst lr;
	_ =	strace $0xD0000000  }
0x3: {  	_ = 	snop  }
0x4: {  	_ = 	snop  }
0x5: {  	_ = 	snop  }
0x6: {  	_ = 	snop  }
0x7: {  	_ = 	snop  }
__scs_overlays_trampoline_lowered:
0x8: {  	[smem:$0x3FAF] =	sst s0  }
0x9: {  	[smem:$0x3FB0] =	sst s1  }
0xa: {  	[smem:$0x3FB1] =	sst s2  }
0xb: {  	[smem:$0x3FB2] =	sst s3  }
0xc: {  	[smem:$0x3FB3] =	sst s4  }
0xd: {  	[smem:$0x3FB4] =	sst s5  }
0xe: {  	[smem:$0x3FB5] =	sst s6  }
0xf: {  	[smem:$0x3FB6] =	sst s7  }
0x10: {  	[smem:$0x3FB7] =	sst s8  }
0x11: {  	[smem:$0x3FB8] =	sst s9;
	s0 =	simm.s32 @!p0 $0x0  }
0x12: {  	s1 =	sld [smem:$0x3F9E];
	s0 =	simm.s32 @p0 $0x1  }
0x13: {  	[smem:$0x3FB9] =	sst s0;
	s0 =	simm.s32 @!p1 $0x0  }
0x14: {  	s2 =	sld [smem:$0x3F9D];
	s0 =	simm.s32 @p1 $0x1  }
0x15: {  	[smem:$0x3FBA] =	sst s0;
	s0 =	simm.s32 @!p2 $0x0  }
0x16: {  	s3 =	sld [smem:$0x3FDB];
	s0 =	simm.s32 @p2 $0x1  }
0x17: {  	s4 =	simm.s32 $0x1BF5;
	[smem:$0x3FBC] =	sst s0  }
0x18: {  	s0 =	sld [smem:$0x3F9F];
	_ =	swait.ge [sflag:s4], $0x0  }
0x19: {  	s7 =	sld [smem:$0x3FA0]  }
0x1a: {  	s8 =	sadd.s32 $0xFFFFE003, lr  }
0x1b: {  	s9 =	sadd.s32 $0xFFFFFEF7, lr;
	s5 =	simm.s32 $0xFFFFFFFF;
	p2 =	slt.u32 s8, $0xFFFFF086  }
0x1c: {  	p1 =	slt.u32 s9, $0xF7A;
	s5 =	simm.s32 @!p2 $0x0  }
0x1d: {  	s5 =	simm.s32 @p1 $0x1;
	p0 =	seq.s32 s7, s2  }
0x1e: {  	s7 =	smul.u32 @!p0 $0xF7A, s2;
	p2 =	seq.s32 @!p0 s5, $0x0  }
0x1f: {  	s9 =	smul.u32 $0xF7A, s1;
	s8 =	simm.s32 @!p0 $0x1BF5;
	p2 =	por !p2, p0  }
0x20: {  	[sflag:s8] =	ssyncset.s32 @!p0 $0xFFFFF086;
	s6 =	sadd.s32 @!p0 s3, s7;
	s7 =	simm.s32 @!p0 $0x108  }
0x21: {  	s3 =	sadd.s32 s3, s9;
	s6 =	sadd.s32 @!p0 $0x88, s6;
	s7 =	simm.s32 @p2 $0x1082  }
0x22: {  	[simem:s7], [sflag:s8] =	dma.local @!p0 [hbm:s6], $0xF7A  }
0x23: {  	s9 =	sor.u32 $0xD0000000, s2;
	s6 =	simm.s32 $0x108;
	_ =	swait.ge @!p0 [sflag:s8], $0x0  }
0x24: {  	s3 =	sadd.s32 $0x88, s3;
	s6 =	simm.s32 @!p1 $0x1082;
	[sflag:s4] =	ssyncset.s32 $0xFFFFF086  }
0x25: {  	[simem:s6], [sflag:s4] =	dma.local [hbm:s3], $0xF7A  }
0x26: {  	[smem:$0x3FA0] =	sst s1;
	(tag) =	ssettag s2;
	_ =	strace s9  }
0x27: {  	s1 =	sld [smem:$0x3FB0]  }
0x28: {  	s2 =	sld [smem:$0x3FB1]  }
0x29: {  	s4 =	sld [smem:$0x3FB3]  }
0x2a: {  	p0 =	seq.s32 s5, $0x0;
	s5 =	sld [smem:$0x3FB4]  }
0x2b: {  	s6 =	sld [smem:$0x3FB5]  }
0x2c: {  	s7 =	sld [smem:$0x3FB6]  }
0x2d: {  	s3 =	simm.s32 $0x108;
	s8 =	sld [smem:$0x3FB7]  }
0x2e: {  	s3 =	simm.s32 @!p0 $0x1082;
	s9 =	sld [smem:$0x3FB8]  }
0x2f: {  	lr =	sadd.s32 s0, s3;
	s0 =	sld [smem:$0x3FAF]  }
0x30: {  	s3 =	sld [smem:$0x3FB2]  }
0x31: {  	[smem:$0x3FBB] =	sst s10  }
0x32: {  	s10 =	sld [smem:$0x3FB9];
	_ =	sdelay $0x3  }
0x33: {  	p0 =	seq.s32 s10, $0x1;
	s10 =	sld [smem:$0x3FBB];
	_ =	sdelay $0x3  }
0x34: {  	[smem:$0x3FBB] =	sst s10  }
0x35: {  	s10 =	sld [smem:$0x3FBA];
	_ =	sdelay $0x3  }
0x36: {  	p1 =	seq.s32 s10, $0x1;
	s10 =	sld [smem:$0x3FBB];
	_ =	sdelay $0x3  }
0x37: {  	[smem:$0x3FBB] =	sst s10  }
0x38: {  	s10 =	sld [smem:$0x3FBC]  }
0x39: {  	_ = 	snop;
	(pc) =	sbr.ind lr, $3  }
0x3a: {  	_ = 	snop  }
0x3b: {  	_ = 	snop  }
0x3c: {  	p2 =	seq.s32 s10, $0x1;
	s10 =	sld [smem:$0x3FBB]  }
0x3d: {  	_ =	shalt  }
0x3e: {  	_ =	shalt  }
0x3f: {  	_ =	shalt  }
0x40: {  	_ =	shalt  }
0x41: {  	_ =	shalt  }
0x42: {  	_ =	shalt  }
0x43: {  	_ =	shalt  }
0x44: {  	_ =	shalt  }
0x45: {  	_ =	shalt  }
0x46: {  	_ =	shalt  }
0x47: {  	_ =	shalt  }
0x48: {  	_ =	shalt  }
0x49: {  	_ =	shalt  }
0x4a: {  	_ =	shalt  }
0x4b: {  	_ =	shalt  }
0x4c: {  	_ =	shalt  }
0x4d: {  	_ =	shalt  }
0x4e: {  	_ =	shalt  }
0x4f: {  	_ =	shalt  }
0x50: {  	_ =	shalt  }
0x51: {  	_ =	shalt  }
0x52: {  	_ =	shalt  }
0x53: {  	_ =	shalt  }
0x54: {  	_ =	shalt  }
0x55: {  	_ =	shalt  }
0x56: {  	_ =	shalt  }
0x57: {  	_ =	shalt  }
0x58: {  	_ =	shalt  }
0x59: {  	_ =	shalt  }
0x5a: {  	_ =	shalt  }
0x5b: {  	_ =	shalt  }
0x5c: {  	_ =	shalt  }
0x5d: {  	_ =	shalt  }
0x5e: {  	_ =	shalt  }
0x5f: {  	_ =	shalt  }
0x60: {  	_ =	shalt  }
0x61: {  	_ =	shalt  }
0x62: {  	_ =	shalt  }
0x63: {  	_ =	shalt  }
0x64: {  	_ =	shalt  }
0x65: {  	_ =	shalt  }
0x66: {  	_ =	shalt  }
0x67: {  	_ =	shalt  }
0x68: {  	_ =	shalt  }
0x69: {  	_ =	shalt  }
0x6a: {  	_ =	shalt  }
0x6b: {  	_ =	shalt  }
0x6c: {  	_ =	shalt  }
0x6d: {  	_ =	shalt  }
0x6e: {  	_ =	shalt  }
0x6f: {  	_ =	shalt  }
0x70: {  	_ =	shalt  }
0x71: {  	_ =	shalt  }
0x72: {  	_ =	shalt  }
0x73: {  	_ =	shalt  }
0x74: {  	_ =	shalt  }
0x75: {  	_ =	shalt  }
0x76: {  	_ =	shalt  }
0x77: {  	_ =	shalt  }
0x78: {  	_ =	shalt  }
0x79: {  	_ =	shalt  }
0x7a: {  	_ =	shalt  }
0x7b: {  	_ =	shalt  }
0x7c: {  	_ =	shalt  }
0x7d: {  	_ =	shalt  }
0x7e: {  	_ =	shalt  }
0x7f: {  	_ =	shalt  }
0x80: {  	_ =	shalt  }
0x81: {  	_ =	shalt  }
0x82: {  	_ =	shalt  }
0x83: {  	_ =	shalt  }
0x84: {  	_ =	shalt  }
0x85: {  	_ =	shalt  }
0x86: {  	_ =	shalt  }
0x87: {  	_ =	shalt  }
.Lfunc_end0:
.L_simem_size_0:
called_computation_lowered:
.L_overlay_start_0:
0x88: {  	s2 =	sld [smem:$0x3FD9]  }
0x89: {  	s3 =	sld [smem:$0x3FFE];
	_ =	sdelay $0x1  }
0x8a: {  	s1 =	srdreg.scid  }
0x8b: {  	s0 =	sand.u32 $0x1, s1  }
0x8c: {  	s18 =	sshll.u32 s0, $0xA;
	s2 =	sadd.s32 s3, s2  }
0x8d: {  	s2 =	sadd.s32 s2, s18  }
0x8e: {  	[smem:$0x3FC7] =	sst s2  }
0x8f: {  	_ = 	snop  }
0x90: {  	s2 =	sld [smem:$0x3FC9]  }
0x91: {  	s19 =	sld [smem:$0x3FD0];
	(tm) =	ssettm $0x1  }
0x92: {  	s4 =	sld [smem:$0x3FFB];
	_ =	sdelay $0x3  }
0x93: {  	_ =	strace s4  }
0x94: {  	s4 =	sld [smem:$0x3FFC];
	_ =	sdelay $0x3  }
0x95: {  	_ =	strace s4  }
0x96: {  	s4 =	sld [smem:$0x3FFD];
	_ =	sdelay $0x3  }
0x97: {  	_ =	strace s4  }
0x98: {  	_ =	strace $0x8FFFFFFF  }
0x99: {  	s20 =	sld [smem:$0x3FDB];
	_ =	sdelay $0x1  }
0x9a: {  	s5 =	simm.s32 $_scs_section_size  }
0x9b: {  	s6 =	simm.s32 $_size__tile_overlayer_lowered;
	s7 =	simm.s32 $_tile_overlayer_lowered  }
0x9c: {  	s23 =	simm.s32 $0x1BFF;
	s22 =	sshll.u32 s7, $0x1;
	s4 =	sadd.s32 s5, s20  }
0x9d: {  	s8 =	simm.s32 $0x0;
	s21 =	sshll.u32 s6, $0x1;
	s6 =	sadd.s32 s22, s4  }
0x9e: {  	[timem:s8], [sflag:s23] =	dma.local [hbm:s6], s21  }
0x9f: {  	_ =	swait.ge [sflag:s23], s21  }
0xa0: {  	s5 =	ssub.s32 $0x0, s21;
	[sflag:s23] =	ssyncset.done $0x0  }
0xa1: {  	[sflag:s23] =	ssyncadd.s32 s5;
	_ =	sdelay $0x1  }
0xa2: {  	s24 =	simm.s32 $0x1B8B  }
0xa3: {  	_ =	swait.ge [sflag:s24], $0x1  }
0xa4: {  	[sflag:s24] =	ssyncset.done $0x0  }
0xa5: {  	s25 =	simm.s32 $0x1B8E;
	[sflag:s24] =	ssyncadd.s32 $0xFFFFFFFF  }
0xa6: {  	s26 =	simm.s32 $execute0_lowered;
	[smem:$0x3FD2] =	sst s25  }
0xa7: {  	s5 =	sshll.u32 s26, $0x1;
	_ =	strace $0x80000046;
	[dreg:$0x1] =	wrdreg $0xFFFFFFFF  }
0xa8: {  	s28 =	simm.s32 $_size_execute0_lowered;
	s4 =	sadd.s32 s4, s5;
	[dreg:$0x0] =	wrdreg $0x0  }
0xa9: {  	s5 =	sshll.u32 s28, $0x1;
	[dreg:$0x2] =	wrdreg s4  }
0xaa: {  	[dreg:$0x3] =	wrdreg s5  }
0xab: {  	[dreg:$0x4] =	wrdreg $0xC0  }
0xac: {  	_ =	task [dreg:s8], $0x5FFFF  }
0xad: {  	[dreg:$0x1] =	wrdreg $0xFFFFFFFF  }
0xae: {  	[dreg:$0x0] =	wrdreg $0x60  }
0xaf: {  	[dreg:$0x2] =	wrdreg s2  }
0xb0: {  	[dreg:$0x3] =	wrdreg s19  }
0xb1: {  	[dreg:$0x4] =	wrdreg $0x0  }
0xb2: {  	[dreg:$0x5] =	wrdreg $0x9  }
0xb3: {  	_ =	task.clear_ibuf [dreg:s8], $0x6FFFF;
	_ =	strace $0x90000046  }
0xb4: {  	s29 =	simm.s32 $0x9;
	_ =	strace $0x80000048  }
0xb5: {  	_ =	swait.ge [sflag:s29], $0x1  }
0xb6: {  	[sflag:s29] =	ssyncadd.s32 $0xFFFFFFFF  }
0xb7: {  	_ =	strace $0x90000048  }
0xb8: {  	_ =	sfence  }
0xb9: {  	s30 =	sld [smem:$0x0];
	_ =	sdelay $0x2  }
0xba: {  	s31 =	sshll.u32 s1, $0xD;
	s1 =	sshrl.u32 s1, $0x2  }
0xbb: {  	s3 =	sand.u32 $0x4000, s31;
	s1 =	sadd.s32 s1, s30  }
0xbc: {  	s0 =	sor.u32 s3, s0;
	s1 =	sshll.u32 s1, $0x11  }
0xbd: {  	s0 =	sor.u32 s1, s0  }
0xbe: {  	s0 =	sadd.s32 $0x8F2B, s0  }
0xbf: {  	[sflag:s0] =	ssyncadd.remote.s32 $0x1  }
0xc0: {  	_ =	sfence.sel $0xFFFF  }
0xc1: {  	[dreg:$0x0] =	wrdreg $0xFFFFFFFF;
	(pc) =	sbr.abs _section_cstart, $3  }
0xc2: {  	[dreg:$0x1] =	wrdreg $0xFFFFFFFF  }
0xc3: {  	_ =	task.clear_ibuf [dreg:s8], $0x2FFFF;
	_ =	strace $0x9FFFFFFF  }
0xc4: {  	(tm) =	ssettm $0x7FFFFFFF  }
0xc5: {  	_ =	shalt  }
tec
execute0_lowered:
.L_overlay_start_1:
0x0: {  	(tag) =	ssettag $0x1  }
0x1: {  	s0 =	rddreg [dreg:$0x0]  }
0x2: {  	s1 =	rddreg [dreg:$0x1]  }
0x3: {  	s2 =	rddreg [dreg:$0x2]  }
0x4: {  	s4 =	srdreg.scid;
	s3 =	simm.s32 $0x0;
	s19 =	stileid.u32  }
0x5: {  	s28 =	simm.s32 $0x2;
	s29 =	simm.s32 $0x3;
	s30 =	simm.s32 $0x4  }
0x6: {  	s31 =	simm.s32 $0x0;
	s8 =	sand.u32 $0x1, s4;
	[smem:$0x7FF] =	sst s3  }
0x7: {  	s11 =	smul.u32 $0x2700, s19;
	s9 =	sadd.s32 $0x27000, s2;
	p0 =	sne.s32 s19, $0xF  }
0x8: {  	s4 =	ssub.s32 $0x2, s8;
	_ =	strace $0x80000047;
	s6 =	sshll.u32 s8, $0x4  }
0x9: {  	s16 =	smul.u32 $0x27100, s8;
	s5 =	sshrl.u32 s4, $0x1;
	s7 =	sor.u32 s19, s6  }
0xa: {  	s12 =	sadd.s32 $0x800, s11;
	s13 =	sadd.s32 $0x1000, s11;
	s14 =	sadd.s32 $0x1800, s11  }
0xb: {  	s15 =	sadd.s32 $0x2000, s11;
	s19 =	simm.s32 $0x5;
	s17 =	ssub.s32 s4, s5  }
0xc: {  	s4 =	sadd.s32 s11, s2;
	s5 =	sadd.s32 s12, s2;
	s6 =	sadd.s32 s13, s2  }
0xd: {  	s10 =	smul.u32 $0x500, s7;
	s7 =	sadd.s32 s14, s2;
	s8 =	sadd.s32 s15, s2  }
0xe: {  	s11 =	sadd.s32 s11, s16;
	s18 =	sadd.s32 s16, s12;
	s20 =	sadd.s32 s16, s13  }
0xf: {  	s22 =	sadd.s32 s16, s14;
	s23 =	sadd.s32 s16, s15;
	s24 =	sshrl.u32 s16, $0x3  }
0x10: {  	s21 =	sshrl.u32 s18, $0x3;
	s18 =	sshrl.u32 s20, $0x3;
	s25 =	sshrl.u32 s23, $0x3  }
0x11: {  	s26 =	sadd.s32 s1, s24;
	s17 =	smax.u32 s17, $0x1;
	s20 =	simm.s32 $0x2718  }
0x12: {  	s24 =	simm.s32 $0x2818;
	s10 =	sadd.s32 s0, s10;
	s0 =	sshrl.u32 s11, $0x3  }
0x13: {  	s12 =	sadd.s32 s1, s21;
	s13 =	sadd.s32 s1, s18;
	s15 =	sadd.s32 s1, s25  }
0x14: {  	s16 =	sadd.s32 $0x4E00, s26;
	s18 =	simm.s32 $0x5718;
	s21 =	simm.s32 $0x80  }
0x15: {  	s25 =	simm.s32 $0x2898;
	s11 =	sadd.s32 s1, s0;
	s0 =	sshrl.u32 s22, $0x3  }
0x16: {  	v0 =	vimm.f32 $1.000000000e+00;
	v1 =	vimm.f32 $0.0e+00;
	s26 =	simm.s32 $0x1;
	s22 =	simm.s32 $0x4F18;
	s14 =	sadd.s32 s1, s0  }
.LBB2_1:
0x17: {  	s0 =	simm.s32 $0x0  }
.LBB2_2:
0x18: {  	p1 =	sne.s32 s0, $0x1FC0  }
.Ltmp0:
0x19: {  	_ = 	snop;
	(pc) =	sbr.rel @p1 .LBB2_2-.Ltmp0, $3  }
0x1a: {  	_ =	sdelay $0x1  }
0x1b: {  	s1 =	sshra.s32 s0, $0x2  }
0x1c: {  	s0 =	sadd.s32 $0x40, s0;
	[tilespmem:s1+$0x4F18] =	vst v0  }
0x1d: {  	s0 =	simm.s32 $0x40;
	s1 =	simm.s32 $0x0  }
.LBB2_4:
0x1e: {  	p1 =	sne.s32 s0, $0x1FC0;
	[tilespmem:s1+$0x5718] =	vst v1;
	s1 =	smov.u32 s0;
	s0 =	sadd.s32 $0x40, s0  }
.Ltmp1:
0x1f: {  	(pc) =	sbr.rel @p1 .LBB2_4-.Ltmp1, $2  }
0x20: {  	_ =	sdelay $0x2  }
0x21: {  	s1 =	sshra.s32 s1, $0x2  }
0x22: {  	[tilespmem:s1+$0x5718] =	vst v1  }
0x23: {  	[spmem:s4] =	stream.linear.scatter [tilespmem:s18], [sflag:$0x5], $0x800, $0x38;
	[tilespmem:$0x5F18] =	vst v63  }
0x24: {  	_ =	swait.ge [sflag:s19], $0x800  }
0x25: {  	[sflag:s19] =	ssyncset.done $0x0  }
0x26: {  	[sflag:s19] =	ssyncadd.s32 $0xFFFFF800  }
0x27: {  	[spmem:s5] =	stream.linear.scatter [tilespmem:s18], [sflag:$0x5], $0x800, $0x38;
	[tilespmem:$0x5F18] =	vst v63  }
0x28: {  	_ =	swait.ge [sflag:s19], $0x800  }
0x29: {  	[sflag:s19] =	ssyncset.done $0x0  }
0x2a: {  	[sflag:s19] =	ssyncadd.s32 $0xFFFFF800  }
0x2b: {  	[spmem:s6] =	stream.linear.scatter [tilespmem:s18], [sflag:$0x5], $0x800, $0x38;
	[tilespmem:$0x5F18] =	vst v63  }
0x2c: {  	_ =	swait.ge [sflag:s19], $0x800  }
0x2d: {  	[sflag:s19] =	ssyncset.done $0x0  }
0x2e: {  	[sflag:s19] =	ssyncadd.s32 $0xFFFFF800  }
0x2f: {  	[spmem:s7] =	stream.linear.scatter [tilespmem:s18], [sflag:$0x5], $0x800, $0x38;
	[tilespmem:$0x5F18] =	vst v63  }
0x30: {  	_ =	swait.ge [sflag:s19], $0x800  }
0x31: {  	[sflag:s19] =	ssyncset.done $0x0  }
0x32: {  	[sflag:s19] =	ssyncadd.s32 $0xFFFFF800  }
0x33: {  	[spmem:s8] =	stream.linear.scatter [tilespmem:s18], [sflag:$0x5], $0x700, $0x38;
	[tilespmem:$0x5F18] =	vst v63  }
0x34: {  	_ =	swait.ge [sflag:s19], $0x700  }
0x35: {  	[sflag:s19] =	ssyncset.done $0x0  }
0x36: {  	s0 =	simm.s32 @!p0 $0x5718;
	[sflag:s19] =	ssyncadd.s32 $0xFFFFF900  }
0x37: {  	[spmem:s9] =	stream.linear.scatter @!p0 [tilespmem:s0], [sflag:$0x5], $0x100, $0x38;
	[tilespmem:$0x5F18] =	vst v63  }
0x38: {  	s0 =	simm.s32 @!p0 $0x5  }
0x39: {  	_ =	swait.ge @!p0 [sflag:s0], $0x100  }
0x3a: {  	[sflag:s0] =	ssyncset.done @!p0 $0x0  }
0x3b: {  	[sflag:s0] =	ssyncadd.s32 @!p0 $0xFFFFFF00  }
0x3c: {  	[tilespmem:s20], [sflag:$0x5] =	stream.linear.gather [hbm4b:s10+s3], $0x2800, $0x38;
	[tilespmem:$0x5F18] =	vst v63  }
0x3d: {  	_ =	swait.ge [sflag:s19], $0x2800  }
0x3e: {  	[sflag:s19] =	ssyncset.done $0x0  }
0x3f: {  	[sflag:s19] =	ssyncadd.s32 $0xFFFFD800  }
0x40: {  	[bflag:$0x0] =	sbarrier.arrive $0xFFFF  }
0x41: {  	[spmem:s2] =	stream.indirect.scatter.add.f32 [tilespmem:s22], [sflag:$0x1], $0x10, s20, s21, $0xb8;
	[tilespmem:$0x5F18] =	vst v63  }
0x42: {  	s1 =	simm.s32 $0x2798  }
0x43: {  	[spmem:s2] =	stream.indirect.scatter.add.f32 [tilespmem:s22], [sflag:$0x2], $0x10, s1, s21, $0xb8;
	[tilespmem:$0x5F18] =	vst v63  }
0x44: {  	_ = 	snop  }
0x45: {  	[spmem:s2] =	stream.indirect.scatter.add.f32 [tilespmem:s22], [sflag:$0x3], $0x10, s24, s21, $0xb8;
	[tilespmem:$0x5F18] =	vst v63  }
0x46: {  	_ = 	snop  }
0x47: {  	[spmem:s2] =	stream.indirect.scatter.add.f32 [tilespmem:s22], [sflag:$0x4], $0x10, s25, s21, $0xb8;
	[tilespmem:$0x5F18] =	vst v63  }
0x48: {  	_ =	swait.ge [sflag:s26], $0x800  }
0x49: {  	[sflag:s26] =	ssyncset.done $0x0  }
0x4a: {  	s23 =	simm.s32 $0x2918;
	[sflag:s26] =	ssyncadd.s32 $0xFFFFF800  }
0x4b: {  	[spmem:s2] =	stream.indirect.scatter.add.f32 [tilespmem:s22], [sflag:$0x1], $0x10, s23, s21, $0xb8;
	[tilespmem:$0x5F18] =	vst v63  }
0x4c: {  	_ =	swait.ge [sflag:s28], $0x800  }
0x4d: {  	[sflag:s28] =	ssyncset.done $0x0  }
0x4e: {  	s1 =	simm.s32 $0x2998;
	[sflag:s28] =	ssyncadd.s32 $0xFFFFF800  }
0x4f: {  	[spmem:s2] =	stream.indirect.scatter.add.f32 [tilespmem:s22], [sflag:$0x2], $0x10, s1, s21, $0xb8;
	[tilespmem:$0x5F18] =	vst v63  }
0x50: {  	_ =	swait.ge [sflag:s29], $0x800  }
0x51: {  	[sflag:s29] =	ssyncset.done $0x0  }
0x52: {  	s23 =	simm.s32 $0x2A18;
	[sflag:s29] =	ssyncadd.s32 $0xFFFFF800  }
0x53: {  	[spmem:s2] =	stream.indirect.scatter.add.f32 [tilespmem:s22], [sflag:$0x3], $0x10, s23, s21, $0xb8;
	[tilespmem:$0x5F18] =	vst v63  }
0x54: {  	_ =	swait.ge [sflag:s30], $0x800  }
0x55: {  	[sflag:s30] =	ssyncset.done $0x0  }
0x56: {  	s0 =	simm.s32 $0xFFFF7000;
	s1 =	simm.s32 $0x2A98;
	[sflag:s30] =	ssyncadd.s32 $0xFFFFF800  }
.LBB2_6:
0x57: {  	[spmem:s2] =	stream.indirect.scatter.add.f32 [tilespmem:s22], [sflag:$0x4], $0x10, s1, s21, $0xb8;
	[tilespmem:$0x5F18] =	vst v63  }
0x58: {  	s1 =	smov.u32 s0  }
0x59: {  	p1 =	sne.s32 s0, $0xFFFFF800;
	s0 =	sadd.s32 $0x800, s0;
	_ =	swait.ge [sflag:s26], $0x800  }
0x5a: {  	s1 =	sshra.s32 s1, $0x2;
	[sflag:s26] =	ssyncset.done $0x0  }
0x5b: {  	s23 =	sadd.s32 $0x4F18, s1;
	[sflag:s26] =	ssyncadd.s32 $0xFFFFF800  }
0x5c: {  	[spmem:s2] =	stream.indirect.scatter.add.f32 [tilespmem:s22], [sflag:$0x1], $0x10, s23, s21, $0xb8;
	[tilespmem:$0x5F18] =	vst v63  }
0x5d: {  	_ =	swait.ge [sflag:s28], $0x800  }
0x5e: {  	[sflag:s28] =	ssyncset.done $0x0  }
0x5f: {  	s23 =	sadd.s32 $0x4F98, s1;
	[sflag:s28] =	ssyncadd.s32 $0xFFFFF800  }
0x60: {  	[spmem:s2] =	stream.indirect.scatter.add.f32 [tilespmem:s22], [sflag:$0x2], $0x10, s23, s21, $0xb8;
	[tilespmem:$0x5F18] =	vst v63  }
0x61: {  	_ =	swait.ge [sflag:s29], $0x800  }
0x62: {  	[sflag:s29] =	ssyncset.done $0x0  }
.Ltmp2:
0x63: {  	s23 =	sadd.s32 $0x5018, s1;
	[sflag:s29] =	ssyncadd.s32 $0xFFFFF800;
	(pc) =	sbr.rel @p1 .LBB2_6-.Ltmp2, $4  }
0x64: {  	[spmem:s2] =	stream.indirect.scatter.add.f32 [tilespmem:s22], [sflag:$0x3], $0x10, s23, s21, $0xb8;
	[tilespmem:$0x5F18] =	vst v63  }
0x65: {  	_ =	swait.ge [sflag:s30], $0x800  }
0x66: {  	[sflag:s30] =	ssyncset.done $0x0  }
0x67: {  	s1 =	sadd.s32 $0x5098, s1;
	[sflag:s30] =	ssyncadd.s32 $0xFFFFF800  }
0x68: {  	[spmem:s2] =	stream.indirect.scatter.add.f32 [tilespmem:s22], [sflag:$0x4], $0x10, s1, s21, $0xb8;
	[tilespmem:$0x5F18] =	vst v63  }
0x69: {  	_ =	swait.ge [sflag:s26], $0x800  }
0x6a: {  	[sflag:s26] =	ssyncset.done $0x0  }
0x6b: {  	[sflag:s26] =	ssyncadd.s32 $0xFFFFF800  }
0x6c: {  	_ =	swait.ge [sflag:s28], $0x800  }
0x6d: {  	[sflag:s28] =	ssyncset.done $0x0  }
0x6e: {  	[sflag:s28] =	ssyncadd.s32 $0xFFFFF800  }
0x6f: {  	_ =	swait.ge [sflag:s29], $0x800  }
0x70: {  	[sflag:s29] =	ssyncset.done $0x0  }
0x71: {  	[sflag:s29] =	ssyncadd.s32 $0xFFFFF800  }
0x72: {  	_ =	swait.ge [sflag:s30], $0x800  }
0x73: {  	[sflag:s30] =	ssyncset.done $0x0  }
0x74: {  	[sflag:s30] =	ssyncadd.s32 $0xFFFFF800  }
0x75: {  	[bflag:$0x0] =	sbarrier.arrive $0xFFFF  }
0x76: {  	[tilespmem:s18], [sflag:$0x5] =	stream.linear.gather [spmem:s4], $0x800, $0x38;
	[tilespmem:$0x5F18] =	vst v63  }
0x77: {  	_ =	swait.ge [sflag:s19], $0x800  }
0x78: {  	[sflag:s19] =	ssyncset.done $0x0  }
0x79: {  	[sflag:s19] =	ssyncadd.s32 $0xFFFFF800  }
0x7a: {  	[hbm4b:s11+s3] =	stream.linear.scatter [tilespmem:s18], [sflag:$0x5], $0x800, $0x38;
	[tilespmem:$0x5F18] =	vst v63  }
0x7b: {  	_ =	swait.ge [sflag:s19], $0x800  }
0x7c: {  	[sflag:s19] =	ssyncset.done $0x0  }
0x7d: {  	[sflag:s19] =	ssyncadd.s32 $0xFFFFF800  }
0x7e: {  	[tilespmem:s18], [sflag:$0x5] =	stream.linear.gather [spmem:s5], $0x800, $0x38;
	[tilespmem:$0x5F18] =	vst v63  }
0x7f: {  	_ =	swait.ge [sflag:s19], $0x800  }
0x80: {  	[sflag:s19] =	ssyncset.done $0x0  }
0x81: {  	[sflag:s19] =	ssyncadd.s32 $0xFFFFF800  }
0x82: {  	[hbm4b:s12+s3] =	stream.linear.scatter [tilespmem:s18], [sflag:$0x5], $0x800, $0x38;
	[tilespmem:$0x5F18] =	vst v63  }
0x83: {  	_ =	swait.ge [sflag:s19], $0x800  }
0x84: {  	[sflag:s19] =	ssyncset.done $0x0  }
0x85: {  	[sflag:s19] =	ssyncadd.s32 $0xFFFFF800  }
0x86: {  	[tilespmem:s18], [sflag:$0x5] =	stream.linear.gather [spmem:s6], $0x800, $0x38;
	[tilespmem:$0x5F18] =	vst v63  }
0x87: {  	_ =	swait.ge [sflag:s19], $0x800  }
0x88: {  	[sflag:s19] =	ssyncset.done $0x0  }
0x89: {  	[sflag:s19] =	ssyncadd.s32 $0xFFFFF800  }
0x8a: {  	[hbm4b:s13+s3] =	stream.linear.scatter [tilespmem:s18], [sflag:$0x5], $0x800, $0x38;
	[tilespmem:$0x5F18] =	vst v63  }
0x8b: {  	_ =	swait.ge [sflag:s19], $0x800  }
0x8c: {  	[sflag:s19] =	ssyncset.done $0x0  }
0x8d: {  	[sflag:s19] =	ssyncadd.s32 $0xFFFFF800  }
0x8e: {  	[tilespmem:s18], [sflag:$0x5] =	stream.linear.gather [spmem:s7], $0x800, $0x38;
	[tilespmem:$0x5F18] =	vst v63  }
0x8f: {  	_ =	swait.ge [sflag:s19], $0x800  }
0x90: {  	[sflag:s19] =	ssyncset.done $0x0  }
0x91: {  	[sflag:s19] =	ssyncadd.s32 $0xFFFFF800  }
0x92: {  	[hbm4b:s14+s3] =	stream.linear.scatter [tilespmem:s18], [sflag:$0x5], $0x800, $0x38;
	[tilespmem:$0x5F18] =	vst v63  }
0x93: {  	_ =	swait.ge [sflag:s19], $0x800  }
0x94: {  	[sflag:s19] =	ssyncset.done $0x0  }
0x95: {  	[sflag:s19] =	ssyncadd.s32 $0xFFFFF800  }
0x96: {  	[tilespmem:s18], [sflag:$0x5] =	stream.linear.gather [spmem:s8], $0x700, $0x38;
	[tilespmem:$0x5F18] =	vst v63  }
0x97: {  	_ =	swait.ge [sflag:s19], $0x700  }
0x98: {  	[sflag:s19] =	ssyncset.done $0x0  }
0x99: {  	[sflag:s19] =	ssyncadd.s32 $0xFFFFF900  }
0x9a: {  	[hbm4b:s15+s3] =	stream.linear.scatter [tilespmem:s18], [sflag:$0x5], $0x700, $0x38;
	[tilespmem:$0x5F18] =	vst v63  }
0x9b: {  	_ =	swait.ge [sflag:s19], $0x700  }
0x9c: {  	[sflag:s19] =	ssyncset.done $0x0  }
0x9d: {  	s0 =	simm.s32 @!p0 $0x5718;
	s1 =	simm.s32 @!p0 $0x5;
	[sflag:s19] =	ssyncadd.s32 $0xFFFFF900  }
0x9e: {  	[tilespmem:s0], [sflag:$0x5] =	stream.linear.gather @!p0 [spmem:s9], $0x100, $0x38;
	[tilespmem:$0x5F18] =	vst v63  }
0x9f: {  	s31 =	sadd.s32 $0x1, s31;
	_ =	swait.ge @!p0 [sflag:s1], $0x100  }
0xa0: {  	p1 =	sne.s32 s31, s17;
	[sflag:s1] =	ssyncset.done @!p0 $0x0  }
.Ltmp3:
0xa1: {  	s23 =	simm.s32 @!p0 $0x0;
	[sflag:s1] =	ssyncadd.s32 @!p0 $0xFFFFFF00;
	(pc) =	sbr.rel @p1 .LBB2_1-.Ltmp3, $4  }
0xa2: {  	[hbm4b:s16+s23] =	stream.linear.scatter @!p0 [tilespmem:s0], [sflag:$0x5], $0x100, $0x38;
	[tilespmem:$0x5F18] =	vst v63  }
0xa3: {  	_ =	swait.ge @!p0 [sflag:s1], $0x100  }
0xa4: {  	[sflag:s1] =	ssyncset.done @!p0 $0x0  }
0xa5: {  	[sflag:s1] =	ssyncadd.s32 @!p0 $0xFFFFFF00  }
0xa6: {  	_ =	sfence.sel $0x180000  }
0xa7: {  	[bflag:$0x0] =	sbarrier.arrive $0xFFFF  }
0xa8: {  	_ =	strace $0x90000047  }
0xa9: {  	s0 =	stileid.u32;
	[bflag:$0x2] =	sbarrier.arrive $0xFFFF  }
0xaa: {  	p0 =	sne.s32 s0, $0x0;
	s0 =	rddreg [dreg:$0x3]  }
0xab: {  	s0 =	sadd.s32 @!p0 $0x100000, s0  }
0xac: {  	[sflag:s0] =	ssyncadd.tile.s32 @!p0 $0x1;
	_ =	shalt  }
.Lfunc_end2:
_tile_overlayer_lowered:
.L_overlay_start_2:
0xad: {  	(tag) =	ssettag $0x2  }
0xae: {  	s0 =	rddreg [dreg:$0x0];
	s2 =	stileid.u32  }
0xaf: {  	s1 =	rddreg [dreg:$0x1];
	p0 =	sne.s32 s2, $0x0  }
0xb0: {  	s3 =	rddreg [dreg:$0x2];
	[bflag:$0x3] =	sbarrier.arrive $0xFFFF;
	s2 =	simm.s32 @!p0 $0x1C05  }
0xb1: {  	[timem:s3], [sflag:s2] =	dma.local @!p0 [hbm:s0], s1  }
0xb2: {  	s0 =	simm.s32 @!p0 $0x5  }
0xb3: {  	_ =	swait.ge @!p0 [sflag:s0], s1  }
0xb4: {  	s1 =	ssub.s32 @!p0 $0x0, s1;
	[sflag:s0] =	ssyncset.done @!p0 $0x0  }
0xb5: {  	[sflag:s0] =	ssyncadd.s32 @!p0 s1  }
0xb6: {  	[bflag:$0x3] =	sbarrier.arrive $0xFFFF  }
0xb7: {  	_ =	shalt  }

</sc_bundles>
